<compile_context>
chip_gen: v7x
topology: tpu7x:2x2x1
jax: 0.10.2.dev20260603
libtpu: 0.0.44.dev20260713+nightly
codegen_flags: <defaults>
</compile_context>

<pallas_src>
import functools
import jax
import jax.numpy as jnp
from jax import lax
from jax.experimental import pallas as pl
from jax.experimental.pallas import tpu as pltpu
from jax.experimental.pallas import tpu_sc as plsc


_NUM_CLASSES = 4
_LANES = 128


def _make_sc_kernel(n, m):
    nc, ns = 2, 16
    nw = nc * ns
    rows_per_w = n // nw
    pairs = rows_per_w // 2
    jt = m // _LANES
    mesh = plsc.VectorSubcoreMesh(core_axis_name="c", subcore_axis_name="s")

    @functools.partial(
        pl.kernel,
        mesh=mesh,
        out_type=jax.ShapeDtypeStruct((n, jt * _NUM_CLASSES, _LANES), jnp.float32),
        scratch_types=[
            pltpu.VMEM((2, m), jnp.int32),
            pltpu.VMEM((2, jt * _NUM_CLASSES, _LANES), jnp.float32),
            pltpu.SemaphoreType.DMA((2,)),
            pltpu.SemaphoreType.DMA((2,)),
        ],
    )
    def k(x_hbm, out_hbm, xin, orow, sin, sout):
        wid = lax.axis_index("s") * nc + lax.axis_index("c")
        ones = jnp.full((16,), 1.0, jnp.float32)
        zeros = jnp.zeros((16,), jnp.float32)

        def compute(b, row_sel):
            def jt_body(t, carry2):
                for v in range(_LANES // 16):
                    xv = xin[b, pl.ds(t * _LANES + 16 * v, 16)]
                    for c in range(_NUM_CLASSES):
                        orow[b, _NUM_CLASSES * t + c, pl.ds(16 * v, 16)] = (
                            jnp.where(xv == c, ones, zeros)
                        )
                return carry2

            lax.fori_loop(0, jt, jt_body, 0)

        def pair_body(t, carry):
            base = wid * rows_per_w + 2 * t

            @pl.when(t == 0)
            def _():
                pltpu.make_async_copy(x_hbm.at[base], xin.at[0], sin.at[0]).start()
                pltpu.make_async_copy(
                    x_hbm.at[base + 1], xin.at[1], sin.at[1]
                ).start()

            @pl.when(t > 0)
            def _():
                pltpu.make_async_copy(
                    orow.at[0], out_hbm.at[base - 2], sout.at[0]
                ).wait()
                pltpu.make_async_copy(
                    orow.at[1], out_hbm.at[base - 1], sout.at[1]
                ).wait()

            pltpu.make_async_copy(x_hbm.at[base], xin.at[0], sin.at[0]).wait()
            compute(0, base)
            pltpu.make_async_copy(
                orow.at[0], out_hbm.at[base], sout.at[0]
            ).start()

            @pl.when(t + 1 < pairs)
            def _():
                pltpu.make_async_copy(
                    x_hbm.at[base + 2], xin.at[0], sin.at[0]
                ).start()

            pltpu.make_async_copy(x_hbm.at[base + 1], xin.at[1], sin.at[1]).wait()
            compute(1, base + 1)
            pltpu.make_async_copy(
                orow.at[1], out_hbm.at[base + 1], sout.at[1]
            ).start()

            @pl.when(t + 1 < pairs)
            def _():
                pltpu.make_async_copy(
                    x_hbm.at[base + 3], xin.at[1], sin.at[1]
                ).start()

            return carry

        lax.fori_loop(0, pairs, pair_body, 0)
        last = wid * rows_per_w + rows_per_w - 2
        pltpu.make_async_copy(orow.at[0], out_hbm.at[last], sout.at[0]).wait()
        pltpu.make_async_copy(orow.at[1], out_hbm.at[last + 1], sout.at[1]).wait()

    return k


def kernel(x):
    n, m = x.shape
    jt = m // _LANES
    o = _make_sc_kernel(n, m)(x)
    return (
        o.reshape(n, jt, _NUM_CLASSES, _LANES)
        .transpose(0, 1, 3, 2)
        .reshape(n, m, _NUM_CLASSES)
    )

# --- scband reference (transcript-rebuilt; emitter-appended) ---
"""Pipeline reference for scband-one-hot-embedding-73641509257862 (READ-ONLY COPY).

The authoritative reference and input builder live on the scoring server;
editing this copy changes nothing except your own understanding.
"""

import jax, jax.numpy as jnp
import numpy as np

NUM_CLASSES = 4

def setup_inputs(seed: int = 0) -> dict:
    key = jax.random.key(seed)
    # indices in [0, num_classes], where value == num_classes is the 'unknown' token
    x = jax.random.randint(key, (1024, 4096), 0, NUM_CLASSES + 1, dtype=jnp.int32)
    return {"x": x}

def reference(x) -> jnp.ndarray:
    # idx_to_onehot(x.long()).float(): one-hot over num_classes columns;
    # any index outside [0, num_classes) (e.g. the 'unknown' index num_classes)
    # maps to the all-zeros vector. jax.nn.one_hot already zeros out-of-range
    # indices, so this is an exact match.
    one_hot = jax.nn.one_hot(x.astype(jnp.int32), NUM_CLASSES, dtype=jnp.float32)
    return one_hot

if __name__ == "__main__":
    import jax
    _d = setup_inputs()
    print(jax.jit(kernel)(*tuple(_d.values())))

</pallas_src>

<mosaic_0001>
#map = affine_map<(d0, d1) -> (0, 0)>
#map1 = affine_map<(d0, d1) -> (0, 0, 0)>
module attributes {stable_mosaic.version = 14 : i64} {
  func.func @k(%arg0: i32, %arg1: i32, %arg2: memref<1024x4096xi32, #tpu.memory_space<hbm>>, %arg3: memref<1024x128x128xf32, #tpu.memory_space<hbm>>, %arg4: memref<2x4096xi32, #tpu.memory_space<vmem>>, %arg5: memref<2x128x128xf32, #tpu.memory_space<vmem>>, %arg6: memref<2x!tpu.dma_semaphore, #tpu.memory_space<semaphore_mem>>, %arg7: memref<2x!tpu.dma_semaphore, #tpu.memory_space<semaphore_mem>>) attributes {dimension_semantics = [#tpu.dimension_semantics<core_parallel>, #tpu.dimension_semantics<subcore_parallel>], iteration_bounds = array<i64: 2, 16>, scalar_prefetch = 0 : i64, scratch_operands = 4 : i64, tpu.core_type = #tpu.core_type<sc_vector_subcore>, window_params = [{transform_indices = #map}, {transform_indices = #map1}]} {
    %mul3A = arith.constant 2 : i32
    %mul3A_0 = arith.muli %arg1, %mul3A : i32
    %add3A = arith.addi %mul3A_0, %arg0 : i32
    %broadcast_in_dim3A = arith.constant 1.000000e+00 : f32
    %broadcast_in_dim3A_1 = vector.broadcast %broadcast_in_dim3A : f32 to vector<16xf32>
    %broadcast_in_dim3A_2 = arith.constant 0.000000e+00 : f32
    %broadcast_in_dim3A_3 = vector.broadcast %broadcast_in_dim3A_2 : f32 to vector<16xf32>
    %scan3A = arith.constant 0 : i32
    %scan3A_4 = arith.constant 0 : i32
    %scan3A_5 = arith.constant 16 : i32
    %scan3A_6 = arith.addi %scan3A_4, %scan3A_5 : i32
    %scan3A_7 = arith.constant 1 : i32
    scf.for %scan3A_55 = %scan3A_4 to %scan3A_6 step %scan3A_7  : i32 {
      %mul3A_56 = arith.constant 32 : i32
      %mul3A_57 = arith.muli %add3A, %mul3A_56 : i32
      %mul3A_58 = arith.constant 2 : i32
      %mul3A_59 = arith.muli %mul3A_58, %scan3A_55 : i32
      %add3A_60 = arith.addi %mul3A_57, %mul3A_59 : i32
      %eq3A = arith.constant 0 : i32
      %eq3A_61 = arith.cmpi eq, %scan3A_55, %eq3A : i32
      %convert_element_type3A = arith.extui %eq3A_61 : i1 to i32
      %cond3A = arith.constant 0 : i32
      %cond3A_62 = arith.cmpi ne, %convert_element_type3A, %cond3A : i32
      scf.if %cond3A_62 {
        %dma_start3A_169 = arith.constant 0 : i32
        %dma_start3A_170 = arith.constant 0 : i32
        %dma_start3A_171 = arith.constant 0 : i32
        %dma_start3A_172 = tpu.memref_slice %arg4[%dma_start3A_169, %dma_start3A_171] : memref<2x4096xi32, #tpu.memory_space<vmem>> -> memref<1x4096xi32, #tpu.memory_space<vmem>>
        %dma_start3A_173 = tpu.memref_squeeze %dma_start3A_172 : memref<1x4096xi32, #tpu.memory_space<vmem>> -> memref<4096xi32, #tpu.memory_space<vmem>>
        %dma_start3A_174 = arith.constant 0 : i32
        %dma_start3A_175 = tpu.memref_slice %arg2[%add3A_60, %dma_start3A_174] : memref<1024x4096xi32, #tpu.memory_space<hbm>> -> memref<1x4096xi32, #tpu.memory_space<hbm>>
        %dma_start3A_176 = tpu.memref_squeeze %dma_start3A_175 : memref<1x4096xi32, #tpu.memory_space<hbm>> -> memref<4096xi32, #tpu.memory_space<hbm>>
        %dma_start3A_177 = tpu.memref_slice %arg6[%dma_start3A_170] : memref<2x!tpu.dma_semaphore, #tpu.memory_space<semaphore_mem>> -> memref<1x!tpu.dma_semaphore, #tpu.memory_space<semaphore_mem>>
        %dma_start3A_178 = tpu.memref_squeeze %dma_start3A_177 : memref<1x!tpu.dma_semaphore, #tpu.memory_space<semaphore_mem>> -> memref<!tpu.dma_semaphore, #tpu.memory_space<semaphore_mem>>
        %dma_start3A_179 = arith.constant 0 : i32
        %dma_start3A_180 = tpu.memref_slice %arg4[%dma_start3A_169, %dma_start3A_179] : memref<2x4096xi32, #tpu.memory_space<vmem>> -> memref<1x4096xi32, #tpu.memory_space<vmem>>
        %dma_start3A_181 = tpu.memref_squeeze %dma_start3A_180 : memref<1x4096xi32, #tpu.memory_space<vmem>> -> memref<4096xi32, #tpu.memory_space<vmem>>
        %dma_start3A_182 = arith.constant 0 : i32
        %dma_start3A_183 = tpu.memref_slice %arg2[%add3A_60, %dma_start3A_182] : memref<1024x4096xi32, #tpu.memory_space<hbm>> -> memref<1x4096xi32, #tpu.memory_space<hbm>>
        %dma_start3A_184 = tpu.memref_squeeze %dma_start3A_183 : memref<1x4096xi32, #tpu.memory_space<hbm>> -> memref<4096xi32, #tpu.memory_space<hbm>>
        tpu.enqueue_dma source(%dma_start3A_184 : memref<4096xi32, #tpu.memory_space<hbm>>) target(%dma_start3A_181 : memref<4096xi32, #tpu.memory_space<vmem>>) target_semaphore(%dma_start3A_178 : memref<!tpu.dma_semaphore, #tpu.memory_space<semaphore_mem>>)
        %add3A_185 = arith.constant 1 : i32
        %add3A_186 = arith.addi %add3A_60, %add3A_185 : i32
        %dma_start3A_187 = arith.constant 1 : i32
        %dma_start3A_188 = arith.constant 1 : i32
        %dma_start3A_189 = arith.constant 0 : i32
        %dma_start3A_190 = tpu.memref_slice %arg4[%dma_start3A_187, %dma_start3A_189] : memref<2x4096xi32, #tpu.memory_space<vmem>> -> memref<1x4096xi32, #tpu.memory_space<vmem>>
        %dma_start3A_191 = tpu.memref_squeeze %dma_start3A_190 : memref<1x4096xi32, #tpu.memory_space<vmem>> -> memref<4096xi32, #tpu.memory_space<vmem>>
        %dma_start3A_192 = arith.constant 0 : i32
        %dma_start3A_193 = tpu.memref_slice %arg2[%add3A_186, %dma_start3A_192] : memref<1024x4096xi32, #tpu.memory_space<hbm>> -> memref<1x4096xi32, #tpu.memory_space<hbm>>
        %dma_start3A_194 = tpu.memref_squeeze %dma_start3A_193 : memref<1x4096xi32, #tpu.memory_space<hbm>> -> memref<4096xi32, #tpu.memory_space<hbm>>
        %dma_start3A_195 = tpu.memref_slice %arg6[%dma_start3A_188] : memref<2x!tpu.dma_semaphore, #tpu.memory_space<semaphore_mem>> -> memref<1x!tpu.dma_semaphore, #tpu.memory_space<semaphore_mem>>
        %dma_start3A_196 = tpu.memref_squeeze %dma_start3A_195 : memref<1x!tpu.dma_semaphore, #tpu.memory_space<semaphore_mem>> -> memref<!tpu.dma_semaphore, #tpu.memory_space<semaphore_mem>>
        %dma_start3A_197 = arith.constant 0 : i32
        %dma_start3A_198 = tpu.memref_slice %arg4[%dma_start3A_187, %dma_start3A_197] : memref<2x4096xi32, #tpu.memory_space<vmem>> -> memref<1x4096xi32, #tpu.memory_space<vmem>>
        %dma_start3A_199 = tpu.memref_squeeze %dma_start3A_198 : memref<1x4096xi32, #tpu.memory_space<vmem>> -> memref<4096xi32, #tpu.memory_space<vmem>>
        %dma_start3A_200 = arith.constant 0 : i32
        %dma_start3A_201 = tpu.memref_slice %arg2[%add3A_186, %dma_start3A_200] : memref<1024x4096xi32, #tpu.memory_space<hbm>> -> memref<1x4096xi32, #tpu.memory_space<hbm>>
        %dma_start3A_202 = tpu.memref_squeeze %dma_start3A_201 : memref<1x4096xi32, #tpu.memory_space<hbm>> -> memref<4096xi32, #tpu.memory_space<hbm>>
        tpu.enqueue_dma source(%dma_start3A_202 : memref<4096xi32, #tpu.memory_space<hbm>>) target(%dma_start3A_199 : memref<4096xi32, #tpu.memory_space<vmem>>) target_semaphore(%dma_start3A_196 : memref<!tpu.dma_semaphore, #tpu.memory_space<semaphore_mem>>)
      } else {
      }
      %gt3A = arith.constant 0 : i32
      %gt3A_63 = arith.cmpi sgt, %scan3A_55, %gt3A : i32
      %convert_element_type3A_64 = arith.extui %gt3A_63 : i1 to i32
      %cond3A_65 = arith.constant 0 : i32
      %cond3A_66 = arith.cmpi ne, %convert_element_type3A_64, %cond3A_65 : i32
      scf.if %cond3A_66 {
        %sub3A_169 = arith.constant 2 : i32
        %sub3A_170 = arith.subi %add3A_60, %sub3A_169 : i32
        %dma_wait3A_171 = arith.constant 0 : i32
        %dma_wait3A_172 = arith.constant 0 : i32
        %dma_wait3A_173 = arith.constant 0 : i32
        %dma_wait3A_174 = arith.constant 0 : i32
        %dma_wait3A_175 = tpu.memref_slice %arg5[%dma_wait3A_171, %dma_wait3A_173, %dma_wait3A_174] : memref<2x128x128xf32, #tpu.memory_space<vmem>> -> memref<1x128x128xf32, #tpu.memory_space<vmem>>
        %dma_wait3A_176 = tpu.memref_squeeze %dma_wait3A_175 : memref<1x128x128xf32, #tpu.memory_space<vmem>> -> memref<128x128xf32, #tpu.memory_space<vmem>>
        %dma_wait3A_177 = arith.constant 0 : i32
        %dma_wait3A_178 = arith.constant 0 : i32
        %dma_wait3A_179 = tpu.memref_slice %arg3[%sub3A_170, %dma_wait3A_177, %dma_wait3A_178] : memref<1024x128x128xf32, #tpu.memory_space<hbm>> -> memref<1x128x128xf32, #tpu.memory_space<hbm>>
        %dma_wait3A_180 = tpu.memref_squeeze %dma_wait3A_179 : memref<1x128x128xf32, #tpu.memory_space<hbm>> -> memref<128x128xf32, #tpu.memory_space<hbm>>
        %dma_wait3A_181 = tpu.memref_slice %arg7[%dma_wait3A_172] : memref<2x!tpu.dma_semaphore, #tpu.memory_space<semaphore_mem>> -> memref<1x!tpu.dma_semaphore, #tpu.memory_space<semaphore_mem>>
        %dma_wait3A_182 = tpu.memref_squeeze %dma_wait3A_181 : memref<1x!tpu.dma_semaphore, #tpu.memory_space<semaphore_mem>> -> memref<!tpu.dma_semaphore, #tpu.memory_space<semaphore_mem>>
        %dma_wait3A_183 = arith.constant 0 : i32
        %dma_wait3A_184 = arith.constant 0 : i32
        %dma_wait3A_185 = tpu.memref_slice %arg3[%sub3A_170, %dma_wait3A_183, %dma_wait3A_184] : memref<1024x128x128xf32, #tpu.memory_space<hbm>> -> memref<1x128x128xf32, #tpu.memory_space<hbm>>
        %dma_wait3A_186 = tpu.memref_squeeze %dma_wait3A_185 : memref<1x128x128xf32, #tpu.memory_space<hbm>> -> memref<128x128xf32, #tpu.memory_space<hbm>>
        %dma_wait3A_187 = arith.constant 0 : i32
        %dma_wait3A_188 = arith.constant 0 : i32
        %dma_wait3A_189 = tpu.memref_slice %arg5[%dma_wait3A_171, %dma_wait3A_187, %dma_wait3A_188] : memref<2x128x128xf32, #tpu.memory_space<vmem>> -> memref<1x128x128xf32, #tpu.memory_space<vmem>>
        %dma_wait3A_190 = tpu.memref_squeeze %dma_wait3A_189 : memref<1x128x128xf32, #tpu.memory_space<vmem>> -> memref<128x128xf32, #tpu.memory_space<vmem>>
        tpu.wait_dma2 semaphore(%dma_wait3A_182 : memref<!tpu.dma_semaphore, #tpu.memory_space<semaphore_mem>>) src(%dma_wait3A_190 : memref<128x128xf32, #tpu.memory_space<vmem>>) dst(%dma_wait3A_186 : memref<128x128xf32, #tpu.memory_space<hbm>>)
        %sub3A_191 = arith.constant 1 : i32
        %sub3A_192 = arith.subi %add3A_60, %sub3A_191 : i32
        %dma_wait3A_193 = arith.constant 1 : i32
        %dma_wait3A_194 = arith.constant 1 : i32
        %dma_wait3A_195 = arith.constant 0 : i32
        %dma_wait3A_196 = arith.constant 0 : i32
        %dma_wait3A_197 = tpu.memref_slice %arg5[%dma_wait3A_193, %dma_wait3A_195, %dma_wait3A_196] : memref<2x128x128xf32, #tpu.memory_space<vmem>> -> memref<1x128x128xf32, #tpu.memory_space<vmem>>
        %dma_wait3A_198 = tpu.memref_squeeze %dma_wait3A_197 : memref<1x128x128xf32, #tpu.memory_space<vmem>> -> memref<128x128xf32, #tpu.memory_space<vmem>>
        %dma_wait3A_199 = arith.constant 0 : i32
        %dma_wait3A_200 = arith.constant 0 : i32
        %dma_wait3A_201 = tpu.memref_slice %arg3[%sub3A_192, %dma_wait3A_199, %dma_wait3A_200] : memref<1024x128x128xf32, #tpu.memory_space<hbm>> -> memref<1x128x128xf32, #tpu.memory_space<hbm>>
        %dma_wait3A_202 = tpu.memref_squeeze %dma_wait3A_201 : memref<1x128x128xf32, #tpu.memory_space<hbm>> -> memref<128x128xf32, #tpu.memory_space<hbm>>
        %dma_wait3A_203 = tpu.memref_slice %arg7[%dma_wait3A_194] : memref<2x!tpu.dma_semaphore, #tpu.memory_space<semaphore_mem>> -> memref<1x!tpu.dma_semaphore, #tpu.memory_space<semaphore_mem>>
        %dma_wait3A_204 = tpu.memref_squeeze %dma_wait3A_203 : memref<1x!tpu.dma_semaphore, #tpu.memory_space<semaphore_mem>> -> memref<!tpu.dma_semaphore, #tpu.memory_space<semaphore_mem>>
        %dma_wait3A_205 = arith.constant 0 : i32
        %dma_wait3A_206 = arith.constant 0 : i32
        %dma_wait3A_207 = tpu.memref_slice %arg3[%sub3A_192, %dma_wait3A_205, %dma_wait3A_206] : memref<1024x128x128xf32, #tpu.memory_space<hbm>> -> memref<1x128x128xf32, #tpu.memory_space<hbm>>
        %dma_wait3A_208 = tpu.memref_squeeze %dma_wait3A_207 : memref<1x128x128xf32, #tpu.memory_space<hbm>> -> memref<128x128xf32, #tpu.memory_space<hbm>>
        %dma_wait3A_209 = arith.constant 0 : i32
        %dma_wait3A_210 = arith.constant 0 : i32
        %dma_wait3A_211 = tpu.memref_slice %arg5[%dma_wait3A_193, %dma_wait3A_209, %dma_wait3A_210] : memref<2x128x128xf32, #tpu.memory_space<vmem>> -> memref<1x128x128xf32, #tpu.memory_space<vmem>>
        %dma_wait3A_212 = tpu.memref_squeeze %dma_wait3A_211 : memref<1x128x128xf32, #tpu.memory_space<vmem>> -> memref<128x128xf32, #tpu.memory_space<vmem>>
        tpu.wait_dma2 semaphore(%dma_wait3A_204 : memref<!tpu.dma_semaphore, #tpu.memory_space<semaphore_mem>>) src(%dma_wait3A_212 : memref<128x128xf32, #tpu.memory_space<vmem>>) dst(%dma_wait3A_208 : memref<128x128xf32, #tpu.memory_space<hbm>>)
      } else {
      }
      %dma_wait3A_67 = arith.constant 0 : i32
      %dma_wait3A_68 = arith.constant 0 : i32
      %dma_wait3A_69 = arith.constant 0 : i32
      %dma_wait3A_70 = tpu.memref_slice %arg4[%dma_wait3A_67, %dma_wait3A_69] : memref<2x4096xi32, #tpu.memory_space<vmem>> -> memref<1x4096xi32, #tpu.memory_space<vmem>>
      %dma_wait3A_71 = tpu.memref_squeeze %dma_wait3A_70 : memref<1x4096xi32, #tpu.memory_space<vmem>> -> memref<4096xi32, #tpu.memory_space<vmem>>
      %dma_wait3A_72 = arith.constant 0 : i32
      %dma_wait3A_73 = tpu.memref_slice %arg2[%add3A_60, %dma_wait3A_72] : memref<1024x4096xi32, #tpu.memory_space<hbm>> -> memref<1x4096xi32, #tpu.memory_space<hbm>>
      %dma_wait3A_74 = tpu.memref_squeeze %dma_wait3A_73 : memref<1x4096xi32, #tpu.memory_space<hbm>> -> memref<4096xi32, #tpu.memory_space<hbm>>
      %dma_wait3A_75 = tpu.memref_slice %arg6[%dma_wait3A_68] : memref<2x!tpu.dma_semaphore, #tpu.memory_space<semaphore_mem>> -> memref<1x!tpu.dma_semaphore, #tpu.memory_space<semaphore_mem>>
      %dma_wait3A_76 = tpu.memref_squeeze %dma_wait3A_75 : memref<1x!tpu.dma_semaphore, #tpu.memory_space<semaphore_mem>> -> memref<!tpu.dma_semaphore, #tpu.memory_space<semaphore_mem>>
      %dma_wait3A_77 = arith.constant 0 : i32
      %dma_wait3A_78 = tpu.memref_slice %arg4[%dma_wait3A_67, %dma_wait3A_77] : memref<2x4096xi32, #tpu.memory_space<vmem>> -> memref<1x4096xi32, #tpu.memory_space<vmem>>
      %dma_wait3A_79 = tpu.memref_squeeze %dma_wait3A_78 : memref<1x4096xi32, #tpu.memory_space<vmem>> -> memref<4096xi32, #tpu.memory_space<vmem>>
      %dma_wait3A_80 = arith.constant 0 : i32
      %dma_wait3A_81 = tpu.memref_slice %arg2[%add3A_60, %dma_wait3A_80] : memref<1024x4096xi32, #tpu.memory_space<hbm>> -> memref<1x4096xi32, #tpu.memory_space<hbm>>
      %dma_wait3A_82 = tpu.memref_squeeze %dma_wait3A_81 : memref<1x4096xi32, #tpu.memory_space<hbm>> -> memref<4096xi32, #tpu.memory_space<hbm>>
      tpu.wait_dma2 semaphore(%dma_wait3A_76 : memref<!tpu.dma_semaphore, #tpu.memory_space<semaphore_mem>>) src(%dma_wait3A_82 : memref<4096xi32, #tpu.memory_space<hbm>>) dst(%dma_wait3A_79 : memref<4096xi32, #tpu.memory_space<vmem>>)
      %scan3A_83 = arith.constant 0 : i32
      %scan3A_84 = arith.constant 0 : i32
      %scan3A_85 = arith.constant 32 : i32
      %scan3A_86 = arith.addi %scan3A_84, %scan3A_85 : i32
      %scan3A_87 = arith.constant 1 : i32
      scf.for %scan3A_169 = %scan3A_84 to %scan3A_86 step %scan3A_87  : i32 {
        %mul3A_170 = arith.constant 128 : i32
        %mul3A_171 = arith.muli %scan3A_169, %mul3A_170 : i32
        %add3A_172 = arith.constant 0 : i32
        %add3A_173 = arith.addi %mul3A_171, %add3A_172 : i32
        %get3A = arith.constant 0 : i32
        %get3A_174 = arith.index_cast %get3A : i32 to index
        %get3A_175 = arith.index_cast %add3A_173 : i32 to index
        %get3A_176 = tpu.vector_load %arg4[%get3A_174, %get3A_175] {strides = array<i32>} : memref<2x4096xi32, #tpu.memory_space<vmem>>, vector<1x16xi32>,
        %get3A_177 = vector.shape_cast %get3A_176 : vector<1x16xi32> to vector<16xi32>
        %eq3A_178 = arith.constant 0 : i32
        %eq3A_179 = vector.broadcast %eq3A_178 : i32 to vector<16xi32>
        %eq3A_180 = arith.cmpi eq, %get3A_177, %eq3A_179 : vector<16xi32>
        %select_n3A = arith.select %eq3A_180, %broadcast_in_dim3A_1, %broadcast_in_dim3A_3 : vector<16xi1>, vector<16xf32>
        %mul3A_181 = arith.constant 4 : i32
        %mul3A_182 = arith.muli %mul3A_181, %scan3A_169 : i32
        %add3A_183 = arith.constant 0 : i32
        %add3A_184 = arith.addi %mul3A_182, %add3A_183 : i32
        %swap3A = arith.constant 0 : i32
        %swap3A_185 = arith.index_cast %swap3A : i32 to index
        %swap3A_186 = arith.index_cast %add3A_184 : i32 to index
        %swap3A_187 = arith.constant 0 : index
        %swap3A_188 = tpu.vector_load %arg5[%swap3A_185, %swap3A_186, %swap3A_187] {strides = array<i32>} : memref<2x128x128xf32, #tpu.memory_space<vmem>>, vector<1x1x16xf32>,
        %swap3A_189 = vector.shape_cast %swap3A_188 : vector<1x1x16xf32> to vector<16xf32>
        %swap3A_190 = vector.shape_cast %select_n3A : vector<16xf32> to vector<1x1x16xf32>
        tpu.vector_store %arg5[%swap3A_185, %swap3A_186, %swap3A_187], %swap3A_190 {strides = array<i32>} : memref<2x128x128xf32, #tpu.memory_space<vmem>>, vector<1x1x16xf32>,
        %eq3A_191 = arith.constant 1 : i32
        %eq3A_192 = vector.broadcast %eq3A_191 : i32 to vector<16xi32>
        %eq3A_193 = arith.cmpi eq, %get3A_177, %eq3A_192 : vector<16xi32>
        %select_n3A_194 = arith.select %eq3A_193, %broadcast_in_dim3A_1, %broadcast_in_dim3A_3 : vector<16xi1>, vector<16xf32>
        %mul3A_195 = arith.constant 4 : i32
        %mul3A_196 = arith.muli %mul3A_195, %scan3A_169 : i32
        %add3A_197 = arith.constant 1 : i32
        %add3A_198 = arith.addi %mul3A_196, %add3A_197 : i32
        %swap3A_199 = arith.constant 0 : i32
        %swap3A_200 = arith.index_cast %swap3A_199 : i32 to index
        %swap3A_201 = arith.index_cast %add3A_198 : i32 to index
        %swap3A_202 = arith.constant 0 : index
        %swap3A_203 = tpu.vector_load %arg5[%swap3A_200, %swap3A_201, %swap3A_202] {strides = array<i32>} : memref<2x128x128xf32, #tpu.memory_space<vmem>>, vector<1x1x16xf32>,
        %swap3A_204 = vector.shape_cast %swap3A_203 : vector<1x1x16xf32> to vector<16xf32>
        %swap3A_205 = vector.shape_cast %select_n3A_194 : vector<16xf32> to vector<1x1x16xf32>
        tpu.vector_store %arg5[%swap3A_200, %swap3A_201, %swap3A_202], %swap3A_205 {strides = array<i32>} : memref<2x128x128xf32, #tpu.memory_space<vmem>>, vector<1x1x16xf32>,
        %eq3A_206 = arith.constant 2 : i32
        %eq3A_207 = vector.broadcast %eq3A_206 : i32 to vector<16xi32>
        %eq3A_208 = arith.cmpi eq, %get3A_177, %eq3A_207 : vector<16xi32>
        %select_n3A_209 = arith.select %eq3A_208, %broadcast_in_dim3A_1, %broadcast_in_dim3A_3 : vector<16xi1>, vector<16xf32>
        %mul3A_210 = arith.constant 4 : i32
        %mul3A_211 = arith.muli %mul3A_210, %scan3A_169 : i32
        %add3A_212 = arith.constant 2 : i32
        %add3A_213 = arith.addi %mul3A_211, %add3A_212 : i32
        %swap3A_214 = arith.constant 0 : i32
        %swap3A_215 = arith.index_cast %swap3A_214 : i32 to index
        %swap3A_216 = arith.index_cast %add3A_213 : i32 to index
        %swap3A_217 = arith.constant 0 : index
        %swap3A_218 = tpu.vector_load %arg5[%swap3A_215, %swap3A_216, %swap3A_217] {strides = array<i32>} : memref<2x128x128xf32, #tpu.memory_space<vmem>>, vector<1x1x16xf32>,
        %swap3A_219 = vector.shape_cast %swap3A_218 : vector<1x1x16xf32> to vector<16xf32>
        %swap3A_220 = vector.shape_cast %select_n3A_209 : vector<16xf32> to vector<1x1x16xf32>
        tpu.vector_store %arg5[%swap3A_215, %swap3A_216, %swap3A_217], %swap3A_220 {strides = array<i32>} : memref<2x128x128xf32, #tpu.memory_space<vmem>>, vector<1x1x16xf32>,
        %eq3A_221 = arith.constant 3 : i32
        %eq3A_222 = vector.broadcast %eq3A_221 : i32 to vector<16xi32>
        %eq3A_223 = arith.cmpi eq, %get3A_177, %eq3A_222 : vector<16xi32>
        %select_n3A_224 = arith.select %eq3A_223, %broadcast_in_dim3A_1, %broadcast_in_dim3A_3 : vector<16xi1>, vector<16xf32>
        %mul3A_225 = arith.constant 4 : i32
        %mul3A_226 = arith.muli %mul3A_225, %scan3A_169 : i32
        %add3A_227 = arith.constant 3 : i32
        %add3A_228 = arith.addi %mul3A_226, %add3A_227 : i32
        %swap3A_229 = arith.constant 0 : i32
        %swap3A_230 = arith.index_cast %swap3A_229 : i32 to index
        %swap3A_231 = arith.index_cast %add3A_228 : i32 to index
        %swap3A_232 = arith.constant 0 : index
        %swap3A_233 = tpu.vector_load %arg5[%swap3A_230, %swap3A_231, %swap3A_232] {strides = array<i32>} : memref<2x128x128xf32, #tpu.memory_space<vmem>>, vector<1x1x16xf32>,
        %swap3A_234 = vector.shape_cast %swap3A_233 : vector<1x1x16xf32> to vector<16xf32>
        %swap3A_235 = vector.shape_cast %select_n3A_224 : vector<16xf32> to vector<1x1x16xf32>
        tpu.vector_store %arg5[%swap3A_230, %swap3A_231, %swap3A_232], %swap3A_235 {strides = array<i32>} : memref<2x128x128xf32, #tpu.memory_space<vmem>>, vector<1x1x16xf32>,
        %mul3A_236 = arith.constant 128 : i32
        %mul3A_237 = arith.muli %scan3A_169, %mul3A_236 : i32
        %add3A_238 = arith.constant 16 : i32
        %add3A_239 = arith.addi %mul3A_237, %add3A_238 : i32
        %get3A_240 = arith.constant 0 : i32
        %get3A_241 = arith.index_cast %get3A_240 : i32 to index
        %get3A_242 = arith.index_cast %add3A_239 : i32 to index
        %get3A_243 = tpu.vector_load %arg4[%get3A_241, %get3A_242] {strides = array<i32>} : memref<2x4096xi32, #tpu.memory_space<vmem>>, vector<1x16xi32>,
        %get3A_244 = vector.shape_cast %get3A_243 : vector<1x16xi32> to vector<16xi32>
        %eq3A_245 = arith.constant 0 : i32
        %eq3A_246 = vector.broadcast %eq3A_245 : i32 to vector<16xi32>
        %eq3A_247 = arith.cmpi eq, %get3A_244, %eq3A_246 : vector<16xi32>
        %select_n3A_248 = arith.select %eq3A_247, %broadcast_in_dim3A_1, %broadcast_in_dim3A_3 : vector<16xi1>, vector<16xf32>
        %mul3A_249 = arith.constant 4 : i32
        %mul3A_250 = arith.muli %mul3A_249, %scan3A_169 : i32
        %add3A_251 = arith.constant 0 : i32
        %add3A_252 = arith.addi %mul3A_250, %add3A_251 : i32
        %swap3A_253 = arith.constant 0 : i32
        %swap3A_254 = arith.index_cast %swap3A_253 : i32 to index
        %swap3A_255 = arith.index_cast %add3A_252 : i32 to index
        %swap3A_256 = arith.constant 16 : index
        %swap3A_257 = tpu.vector_load %arg5[%swap3A_254, %swap3A_255, %swap3A_256] {strides = array<i32>} : memref<2x128x128xf32, #tpu.memory_space<vmem>>, vector<1x1x16xf32>,
        %swap3A_258 = vector.shape_cast %swap3A_257 : vector<1x1x16xf32> to vector<16xf32>
        %swap3A_259 = vector.shape_cast %select_n3A_248 : vector<16xf32> to vector<1x1x16xf32>
        tpu.vector_store %arg5[%swap3A_254, %swap3A_255, %swap3A_256], %swap3A_259 {strides = array<i32>} : memref<2x128x128xf32, #tpu.memory_space<vmem>>, vector<1x1x16xf32>,
        %eq3A_260 = arith.constant 1 : i32
        %eq3A_261 = vector.broadcast %eq3A_260 : i32 to vector<16xi32>
        %eq3A_262 = arith.cmpi eq, %get3A_244, %eq3A_261 : vector<16xi32>
        %select_n3A_263 = arith.select %eq3A_262, %broadcast_in_dim3A_1, %broadcast_in_dim3A_3 : vector<16xi1>, vector<16xf32>
        %mul3A_264 = arith.constant 4 : i32
        %mul3A_265 = arith.muli %mul3A_264, %scan3A_169 : i32
        %add3A_266 = arith.constant 1 : i32
        %add3A_267 = arith.addi %mul3A_265, %add3A_266 : i32
        %swap3A_268 = arith.constant 0 : i32
        %swap3A_269 = arith.index_cast %swap3A_268 : i32 to index
        %swap3A_270 = arith.index_cast %add3A_267 : i32 to index
        %swap3A_271 = arith.constant 16 : index
        %swap3A_272 = tpu.vector_load %arg5[%swap3A_269, %swap3A_270, %swap3A_271] {strides = array<i32>} : memref<2x128x128xf32, #tpu.memory_space<vmem>>, vector<1x1x16xf32>,
        %swap3A_273 = vector.shape_cast %swap3A_272 : vector<1x1x16xf32> to vector<16xf32>
        %swap3A_274 = vector.shape_cast %select_n3A_263 : vector<16xf32> to vector<1x1x16xf32>
        tpu.vector_store %arg5[%swap3A_269, %swap3A_270, %swap3A_271], %swap3A_274 {strides = array<i32>} : memref<2x128x128xf32, #tpu.memory_space<vmem>>, vector<1x1x16xf32>,
        %eq3A_275 = arith.constant 2 : i32
        %eq3A_276 = vector.broadcast %eq3A_275 : i32 to vector<16xi32>
        %eq3A_277 = arith.cmpi eq, %get3A_244, %eq3A_276 : vector<16xi32>
        %select_n3A_278 = arith.select %eq3A_277, %broadcast_in_dim3A_1, %broadcast_in_dim3A_3 : vector<16xi1>, vector<16xf32>
        %mul3A_279 = arith.constant 4 : i32
        %mul3A_280 = arith.muli %mul3A_279, %scan3A_169 : i32
        %add3A_281 = arith.constant 2 : i32
        %add3A_282 = arith.addi %mul3A_280, %add3A_281 : i32
        %swap3A_283 = arith.constant 0 : i32
        %swap3A_284 = arith.index_cast %swap3A_283 : i32 to index
        %swap3A_285 = arith.index_cast %add3A_282 : i32 to index
        %swap3A_286 = arith.constant 16 : index
        %swap3A_287 = tpu.vector_load %arg5[%swap3A_284, %swap3A_285, %swap3A_286] {strides = array<i32>} : memref<2x128x128xf32, #tpu.memory_space<vmem>>, vector<1x1x16xf32>,
        %swap3A_288 = vector.shape_cast %swap3A_287 : vector<1x1x16xf32> to vector<16xf32>
        %swap3A_289 = vector.shape_cast %select_n3A_278 : vector<16xf32> to vector<1x1x16xf32>
        tpu.vector_store %arg5[%swap3A_284, %swap3A_285, %swap3A_286], %swap3A_289 {strides = array<i32>} : memref<2x128x128xf32, #tpu.memory_space<vmem>>, vector<1x1x16xf32>,
        %eq3A_290 = arith.constant 3 : i32
        %eq3A_291 = vector.broadcast %eq3A_290 : i32 to vector<16xi32>
        %eq3A_292 = arith.cmpi eq, %get3A_244, %eq3A_291 : vector<16xi32>
        %select_n3A_293 = arith.select %eq3A_292, %broadcast_in_dim3A_1, %broadcast_in_dim3A_3 : vector<16xi1>, vector<16xf32>
        %mul3A_294 = arith.constant 4 : i32
        %mul3A_295 = arith.muli %mul3A_294, %scan3A_169 : i32
        %add3A_296 = arith.constant 3 : i32
        %add3A_297 = arith.addi %mul3A_295, %add3A_296 : i32
        %swap3A_298 = arith.constant 0 : i32
        %swap3A_299 = arith.index_cast %swap3A_298 : i32 to index
        %swap3A_300 = arith.index_cast %add3A_297 : i32 to index
        %swap3A_301 = arith.constant 16 : index
        %swap3A_302 = tpu.vector_load %arg5[%swap3A_299, %swap3A_300, %swap3A_301] {strides = array<i32>} : memref<2x128x128xf32, #tpu.memory_space<vmem>>, vector<1x1x16xf32>,
        %swap3A_303 = vector.shape_cast %swap3A_302 : vector<1x1x16xf32> to vector<16xf32>
        %swap3A_304 = vector.shape_cast %select_n3A_293 : vector<16xf32> to vector<1x1x16xf32>
        tpu.vector_store %arg5[%swap3A_299, %swap3A_300, %swap3A_301], %swap3A_304 {strides = array<i32>} : memref<2x128x128xf32, #tpu.memory_space<vmem>>, vector<1x1x16xf32>,
        %mul3A_305 = arith.constant 128 : i32
        %mul3A_306 = arith.muli %scan3A_169, %mul3A_305 : i32
        %add3A_307 = arith.constant 32 : i32
        %add3A_308 = arith.addi %mul3A_306, %add3A_307 : i32
        %get3A_309 = arith.constant 0 : i32
        %get3A_310 = arith.index_cast %get3A_309 : i32 to index
        %get3A_311 = arith.index_cast %add3A_308 : i32 to index
        %get3A_312 = tpu.vector_load %arg4[%get3A_310, %get3A_311] {strides = array<i32>} : memref<2x4096xi32, #tpu.memory_space<vmem>>, vector<1x16xi32>,
        %get3A_313 = vector.shape_cast %get3A_312 : vector<1x16xi32> to vector<16xi32>
        %eq3A_314 = arith.constant 0 : i32
        %eq3A_315 = vector.broadcast %eq3A_314 : i32 to vector<16xi32>
        %eq3A_316 = arith.cmpi eq, %get3A_313, %eq3A_315 : vector<16xi32>
        %select_n3A_317 = arith.select %eq3A_316, %broadcast_in_dim3A_1, %broadcast_in_dim3A_3 : vector<16xi1>, vector<16xf32>
        %mul3A_318 = arith.constant 4 : i32
        %mul3A_319 = arith.muli %mul3A_318, %scan3A_169 : i32
        %add3A_320 = arith.constant 0 : i32
        %add3A_321 = arith.addi %mul3A_319, %add3A_320 : i32
        %swap3A_322 = arith.constant 0 : i32
        %swap3A_323 = arith.index_cast %swap3A_322 : i32 to index
        %swap3A_324 = arith.index_cast %add3A_321 : i32 to index
        %swap3A_325 = arith.constant 32 : index
        %swap3A_326 = tpu.vector_load %arg5[%swap3A_323, %swap3A_324, %swap3A_325] {strides = array<i32>} : memref<2x128x128xf32, #tpu.memory_space<vmem>>, vector<1x1x16xf32>,
        %swap3A_327 = vector.shape_cast %swap3A_326 : vector<1x1x16xf32> to vector<16xf32>
        %swap3A_328 = vector.shape_cast %select_n3A_317 : vector<16xf32> to vector<1x1x16xf32>
        tpu.vector_store %arg5[%swap3A_323, %swap3A_324, %swap3A_325], %swap3A_328 {strides = array<i32>} : memref<2x128x128xf32, #tpu.memory_space<vmem>>, vector<1x1x16xf32>,
        %eq3A_329 = arith.constant 1 : i32
        %eq3A_330 = vector.broadcast %eq3A_329 : i32 to vector<16xi32>
        %eq3A_331 = arith.cmpi eq, %get3A_313, %eq3A_330 : vector<16xi32>
        %select_n3A_332 = arith.select %eq3A_331, %broadcast_in_dim3A_1, %broadcast_in_dim3A_3 : vector<16xi1>, vector<16xf32>
        %mul3A_333 = arith.constant 4 : i32
        %mul3A_334 = arith.muli %mul3A_333, %scan3A_169 : i32
        %add3A_335 = arith.constant 1 : i32
        %add3A_336 = arith.addi %mul3A_334, %add3A_335 : i32
        %swap3A_337 = arith.constant 0 : i32
        %swap3A_338 = arith.index_cast %swap3A_337 : i32 to index
        %swap3A_339 = arith.index_cast %add3A_336 : i32 to index
        %swap3A_340 = arith.constant 32 : index
        %swap3A_341 = tpu.vector_load %arg5[%swap3A_338, %swap3A_339, %swap3A_340] {strides = array<i32>} : memref<2x128x128xf32, #tpu.memory_space<vmem>>, vector<1x1x16xf32>,
        %swap3A_342 = vector.shape_cast %swap3A_341 : vector<1x1x16xf32> to vector<16xf32>
        %swap3A_343 = vector.shape_cast %select_n3A_332 : vector<16xf32> to vector<1x1x16xf32>
        tpu.vector_store %arg5[%swap3A_338, %swap3A_339, %swap3A_340], %swap3A_343 {strides = array<i32>} : memref<2x128x128xf32, #tpu.memory_space<vmem>>, vector<1x1x16xf32>,
        %eq3A_344 = arith.constant 2 : i32
        %eq3A_345 = vector.broadcast %eq3A_344 : i32 to vector<16xi32>
        %eq3A_346 = arith.cmpi eq, %get3A_313, %eq3A_345 : vector<16xi32>
        %select_n3A_347 = arith.select %eq3A_346, %broadcast_in_dim3A_1, %broadcast_in_dim3A_3 : vector<16xi1>, vector<16xf32>
        %mul3A_348 = arith.constant 4 : i32
        %mul3A_349 = arith.muli %mul3A_348, %scan3A_169 : i32
        %add3A_350 = arith.constant 2 : i32
        %add3A_351 = arith.addi %mul3A_349, %add3A_350 : i32
        %swap3A_352 = arith.constant 0 : i32
        %swap3A_353 = arith.index_cast %swap3A_352 : i32 to index
        %swap3A_354 = arith.index_cast %add3A_351 : i32 to index
        %swap3A_355 = arith.constant 32 : index
        %swap3A_356 = tpu.vector_load %arg5[%swap3A_353, %swap3A_354, %swap3A_355] {strides = array<i32>} : memref<2x128x128xf32, #tpu.memory_space<vmem>>, vector<1x1x16xf32>,
        %swap3A_357 = vector.shape_cast %swap3A_356 : vector<1x1x16xf32> to vector<16xf32>
        %swap3A_358 = vector.shape_cast %select_n3A_347 : vector<16xf32> to vector<1x1x16xf32>
        tpu.vector_store %arg5[%swap3A_353, %swap3A_354, %swap3A_355], %swap3A_358 {strides = array<i32>} : memref<2x128x128xf32, #tpu.memory_space<vmem>>, vector<1x1x16xf32>,
        %eq3A_359 = arith.constant 3 : i32
        %eq3A_360 = vector.broadcast %eq3A_359 : i32 to vector<16xi32>
        %eq3A_361 = arith.cmpi eq, %get3A_313, %eq3A_360 : vector<16xi32>
        %select_n3A_362 = arith.select %eq3A_361, %broadcast_in_dim3A_1, %broadcast_in_dim3A_3 : vector<16xi1>, vector<16xf32>
        %mul3A_363 = arith.constant 4 : i32
        %mul3A_364 = arith.muli %mul3A_363, %scan3A_169 : i32
        %add3A_365 = arith.constant 3 : i32
        %add3A_366 = arith.addi %mul3A_364, %add3A_365 : i32
        %swap3A_367 = arith.constant 0 : i32
        %swap3A_368 = arith.index_cast %swap3A_367 : i32 to index
        %swap3A_369 = arith.index_cast %add3A_366 : i32 to index
        %swap3A_370 = arith.constant 32 : index
        %swap3A_371 = tpu.vector_load %arg5[%swap3A_368, %swap3A_369, %swap3A_370] {strides = array<i32>} : memref<2x128x128xf32, #tpu.memory_space<vmem>>, vector<1x1x16xf32>,
        %swap3A_372 = vector.shape_cast %swap3A_371 : vector<1x1x16xf32> to vector<16xf32>
        %swap3A_373 = vector.shape_cast %select_n3A_362 : vector<16xf32> to vector<1x1x16xf32>
        tpu.vector_store %arg5[%swap3A_368, %swap3A_369, %swap3A_370], %swap3A_373 {strides = array<i32>} : memref<2x128x128xf32, #tpu.memory_space<vmem>>, vector<1x1x16xf32>,
        %mul3A_374 = arith.constant 128 : i32
        %mul3A_375 = arith.muli %scan3A_169, %mul3A_374 : i32
        %add3A_376 = arith.constant 48 : i32
        %add3A_377 = arith.addi %mul3A_375, %add3A_376 : i32
        %get3A_378 = arith.constant 0 : i32
        %get3A_379 = arith.index_cast %get3A_378 : i32 to index
        %get3A_380 = arith.index_cast %add3A_377 : i32 to index
        %get3A_381 = tpu.vector_load %arg4[%get3A_379, %get3A_380] {strides = array<i32>} : memref<2x4096xi32, #tpu.memory_space<vmem>>, vector<1x16xi32>,
        %get3A_382 = vector.shape_cast %get3A_381 : vector<1x16xi32> to vector<16xi32>
        %eq3A_383 = arith.constant 0 : i32
        %eq3A_384 = vector.broadcast %eq3A_383 : i32 to vector<16xi32>
        %eq3A_385 = arith.cmpi eq, %get3A_382, %eq3A_384 : vector<16xi32>
        %select_n3A_386 = arith.select %eq3A_385, %broadcast_in_dim3A_1, %broadcast_in_dim3A_3 : vector<16xi1>, vector<16xf32>
        %mul3A_387 = arith.constant 4 : i32
        %mul3A_388 = arith.muli %mul3A_387, %scan3A_169 : i32
        %add3A_389 = arith.constant 0 : i32
        %add3A_390 = arith.addi %mul3A_388, %add3A_389 : i32
        %swap3A_391 = arith.constant 0 : i32
        %swap3A_392 = arith.index_cast %swap3A_391 : i32 to index
        %swap3A_393 = arith.index_cast %add3A_390 : i32 to index
        %swap3A_394 = arith.constant 48 : index
        %swap3A_395 = tpu.vector_load %arg5[%swap3A_392, %swap3A_393, %swap3A_394] {strides = array<i32>} : memref<2x128x128xf32, #tpu.memory_space<vmem>>, vector<1x1x16xf32>,
        %swap3A_396 = vector.shape_cast %swap3A_395 : vector<1x1x16xf32> to vector<16xf32>
        %swap3A_397 = vector.shape_cast %select_n3A_386 : vector<16xf32> to vector<1x1x16xf32>
        tpu.vector_store %arg5[%swap3A_392, %swap3A_393, %swap3A_394], %swap3A_397 {strides = array<i32>} : memref<2x128x128xf32, #tpu.memory_space<vmem>>, vector<1x1x16xf32>,
        %eq3A_398 = arith.constant 1 : i32
        %eq3A_399 = vector.broadcast %eq3A_398 : i32 to vector<16xi32>
        %eq3A_400 = arith.cmpi eq, %get3A_382, %eq3A_399 : vector<16xi32>
        %select_n3A_401 = arith.select %eq3A_400, %broadcast_in_dim3A_1, %broadcast_in_dim3A_3 : vector<16xi1>, vector<16xf32>
        %mul3A_402 = arith.constant 4 : i32
        %mul3A_403 = arith.muli %mul3A_402, %scan3A_169 : i32
        %add3A_404 = arith.constant 1 : i32
        %add3A_405 = arith.addi %mul3A_403, %add3A_404 : i32
        %swap3A_406 = arith.constant 0 : i32
        %swap3A_407 = arith.index_cast %swap3A_406 : i32 to index
        %swap3A_408 = arith.index_cast %add3A_405 : i32 to index
        %swap3A_409 = arith.constant 48 : index
        %swap3A_410 = tpu.vector_load %arg5[%swap3A_407, %swap3A_408, %swap3A_409] {strides = array<i32>} : memref<2x128x128xf32, #tpu.memory_space<vmem>>, vector<1x1x16xf32>,
        %swap3A_411 = vector.shape_cast %swap3A_410 : vector<1x1x16xf32> to vector<16xf32>
        %swap3A_412 = vector.shape_cast %select_n3A_401 : vector<16xf32> to vector<1x1x16xf32>
        tpu.vector_store %arg5[%swap3A_407, %swap3A_408, %swap3A_409], %swap3A_412 {strides = array<i32>} : memref<2x128x128xf32, #tpu.memory_space<vmem>>, vector<1x1x16xf32>,
        %eq3A_413 = arith.constant 2 : i32
        %eq3A_414 = vector.broadcast %eq3A_413 : i32 to vector<16xi32>
        %eq3A_415 = arith.cmpi eq, %get3A_382, %eq3A_414 : vector<16xi32>
        %select_n3A_416 = arith.select %eq3A_415, %broadcast_in_dim3A_1, %broadcast_in_dim3A_3 : vector<16xi1>, vector<16xf32>
        %mul3A_417 = arith.constant 4 : i32
        %mul3A_418 = arith.muli %mul3A_417, %scan3A_169 : i32
        %add3A_419 = arith.constant 2 : i32
        %add3A_420 = arith.addi %mul3A_418, %add3A_419 : i32
        %swap3A_421 = arith.constant 0 : i32
        %swap3A_422 = arith.index_cast %swap3A_421 : i32 to index
        %swap3A_423 = arith.index_cast %add3A_420 : i32 to index
        %swap3A_424 = arith.constant 48 : index
        %swap3A_425 = tpu.vector_load %arg5[%swap3A_422, %swap3A_423, %swap3A_424] {strides = array<i32>} : memref<2x128x128xf32, #tpu.memory_space<vmem>>, vector<1x1x16xf32>,
        %swap3A_426 = vector.shape_cast %swap3A_425 : vector<1x1x16xf32> to vector<16xf32>
        %swap3A_427 = vector.shape_cast %select_n3A_416 : vector<16xf32> to vector<1x1x16xf32>
        tpu.vector_store %arg5[%swap3A_422, %swap3A_423, %swap3A_424], %swap3A_427 {strides = array<i32>} : memref<2x128x128xf32, #tpu.memory_space<vmem>>, vector<1x1x16xf32>,
        %eq3A_428 = arith.constant 3 : i32
        %eq3A_429 = vector.broadcast %eq3A_428 : i32 to vector<16xi32>
        %eq3A_430 = arith.cmpi eq, %get3A_382, %eq3A_429 : vector<16xi32>
        %select_n3A_431 = arith.select %eq3A_430, %broadcast_in_dim3A_1, %broadcast_in_dim3A_3 : vector<16xi1>, vector<16xf32>
        %mul3A_432 = arith.constant 4 : i32
        %mul3A_433 = arith.muli %mul3A_432, %scan3A_169 : i32
        %add3A_434 = arith.constant 3 : i32
        %add3A_435 = arith.addi %mul3A_433, %add3A_434 : i32
        %swap3A_436 = arith.constant 0 : i32
        %swap3A_437 = arith.index_cast %swap3A_436 : i32 to index
        %swap3A_438 = arith.index_cast %add3A_435 : i32 to index
        %swap3A_439 = arith.constant 48 : index
        %swap3A_440 = tpu.vector_load %arg5[%swap3A_437, %swap3A_438, %swap3A_439] {strides = array<i32>} : memref<2x128x128xf32, #tpu.memory_space<vmem>>, vector<1x1x16xf32>,
        %swap3A_441 = vector.shape_cast %swap3A_440 : vector<1x1x16xf32> to vector<16xf32>
        %swap3A_442 = vector.shape_cast %select_n3A_431 : vector<16xf32> to vector<1x1x16xf32>
        tpu.vector_store %arg5[%swap3A_437, %swap3A_438, %swap3A_439], %swap3A_442 {strides = array<i32>} : memref<2x128x128xf32, #tpu.memory_space<vmem>>, vector<1x1x16xf32>,
        %mul3A_443 = arith.constant 128 : i32
        %mul3A_444 = arith.muli %scan3A_169, %mul3A_443 : i32
        %add3A_445 = arith.constant 64 : i32
        %add3A_446 = arith.addi %mul3A_444, %add3A_445 : i32
        %get3A_447 = arith.constant 0 : i32
        %get3A_448 = arith.index_cast %get3A_447 : i32 to index
        %get3A_449 = arith.index_cast %add3A_446 : i32 to index
        %get3A_450 = tpu.vector_load %arg4[%get3A_448, %get3A_449] {strides = array<i32>} : memref<2x4096xi32, #tpu.memory_space<vmem>>, vector<1x16xi32>,
        %get3A_451 = vector.shape_cast %get3A_450 : vector<1x16xi32> to vector<16xi32>
        %eq3A_452 = arith.constant 0 : i32
        %eq3A_453 = vector.broadcast %eq3A_452 : i32 to vector<16xi32>
        %eq3A_454 = arith.cmpi eq, %get3A_451, %eq3A_453 : vector<16xi32>
        %select_n3A_455 = arith.select %eq3A_454, %broadcast_in_dim3A_1, %broadcast_in_dim3A_3 : vector<16xi1>, vector<16xf32>
        %mul3A_456 = arith.constant 4 : i32
        %mul3A_457 = arith.muli %mul3A_456, %scan3A_169 : i32
        %add3A_458 = arith.constant 0 : i32
        %add3A_459 = arith.addi %mul3A_457, %add3A_458 : i32
        %swap3A_460 = arith.constant 0 : i32
        %swap3A_461 = arith.index_cast %swap3A_460 : i32 to index
        %swap3A_462 = arith.index_cast %add3A_459 : i32 to index
        %swap3A_463 = arith.constant 64 : index
        %swap3A_464 = tpu.vector_load %arg5[%swap3A_461, %swap3A_462, %swap3A_463] {strides = array<i32>} : memref<2x128x128xf32, #tpu.memory_space<vmem>>, vector<1x1x16xf32>,
        %swap3A_465 = vector.shape_cast %swap3A_464 : vector<1x1x16xf32> to vector<16xf32>
        %swap3A_466 = vector.shape_cast %select_n3A_455 : vector<16xf32> to vector<1x1x16xf32>
        tpu.vector_store %arg5[%swap3A_461, %swap3A_462, %swap3A_463], %swap3A_466 {strides = array<i32>} : memref<2x128x128xf32, #tpu.memory_space<vmem>>, vector<1x1x16xf32>,
        %eq3A_467 = arith.constant 1 : i32
        %eq3A_468 = vector.broadcast %eq3A_467 : i32 to vector<16xi32>
        %eq3A_469 = arith.cmpi eq, %get3A_451, %eq3A_468 : vector<16xi32>
        %select_n3A_470 = arith.select %eq3A_469, %broadcast_in_dim3A_1, %broadcast_in_dim3A_3 : vector<16xi1>, vector<16xf32>
        %mul3A_471 = arith.constant 4 : i32
        %mul3A_472 = arith.muli %mul3A_471, %scan3A_169 : i32
        %add3A_473 = arith.constant 1 : i32
        %add3A_474 = arith.addi %mul3A_472, %add3A_473 : i32
        %swap3A_475 = arith.constant 0 : i32
        %swap3A_476 = arith.index_cast %swap3A_475 : i32 to index
        %swap3A_477 = arith.index_cast %add3A_474 : i32 to index
        %swap3A_478 = arith.constant 64 : index
        %swap3A_479 = tpu.vector_load %arg5[%swap3A_476, %swap3A_477, %swap3A_478] {strides = array<i32>} : memref<2x128x128xf32, #tpu.memory_space<vmem>>, vector<1x1x16xf32>,
        %swap3A_480 = vector.shape_cast %swap3A_479 : vector<1x1x16xf32> to vector<16xf32>
        %swap3A_481 = vector.shape_cast %select_n3A_470 : vector<16xf32> to vector<1x1x16xf32>
        tpu.vector_store %arg5[%swap3A_476, %swap3A_477, %swap3A_478], %swap3A_481 {strides = array<i32>} : memref<2x128x128xf32, #tpu.memory_space<vmem>>, vector<1x1x16xf32>,
        %eq3A_482 = arith.constant 2 : i32
        %eq3A_483 = vector.broadcast %eq3A_482 : i32 to vector<16xi32>
        %eq3A_484 = arith.cmpi eq, %get3A_451, %eq3A_483 : vector<16xi32>
        %select_n3A_485 = arith.select %eq3A_484, %broadcast_in_dim3A_1, %broadcast_in_dim3A_3 : vector<16xi1>, vector<16xf32>
        %mul3A_486 = arith.constant 4 : i32
        %mul3A_487 = arith.muli %mul3A_486, %scan3A_169 : i32
        %add3A_488 = arith.constant 2 : i32
        %add3A_489 = arith.addi %mul3A_487, %add3A_488 : i32
        %swap3A_490 = arith.constant 0 : i32
        %swap3A_491 = arith.index_cast %swap3A_490 : i32 to index
        %swap3A_492 = arith.index_cast %add3A_489 : i32 to index
        %swap3A_493 = arith.constant 64 : index
        %swap3A_494 = tpu.vector_load %arg5[%swap3A_491, %swap3A_492, %swap3A_493] {strides = array<i32>} : memref<2x128x128xf32, #tpu.memory_space<vmem>>, vector<1x1x16xf32>,
        %swap3A_495 = vector.shape_cast %swap3A_494 : vector<1x1x16xf32> to vector<16xf32>
        %swap3A_496 = vector.shape_cast %select_n3A_485 : vector<16xf32> to vector<1x1x16xf32>
        tpu.vector_store %arg5[%swap3A_491, %swap3A_492, %swap3A_493], %swap3A_496 {strides = array<i32>} : memref<2x128x128xf32, #tpu.memory_space<vmem>>, vector<1x1x16xf32>,
        %eq3A_497 = arith.constant 3 : i32
        %eq3A_498 = vector.broadcast %eq3A_497 : i32 to vector<16xi32>
        %eq3A_499 = arith.cmpi eq, %get3A_451, %eq3A_498 : vector<16xi32>
        %select_n3A_500 = arith.select %eq3A_499, %broadcast_in_dim3A_1, %broadcast_in_dim3A_3 : vector<16xi1>, vector<16xf32>
        %mul3A_501 = arith.constant 4 : i32
        %mul3A_502 = arith.muli %mul3A_501, %scan3A_169 : i32
        %add3A_503 = arith.constant 3 : i32
        %add3A_504 = arith.addi %mul3A_502, %add3A_503 : i32
        %swap3A_505 = arith.constant 0 : i32
        %swap3A_506 = arith.index_cast %swap3A_505 : i32 to index
        %swap3A_507 = arith.index_cast %add3A_504 : i32 to index
        %swap3A_508 = arith.constant 64 : index
        %swap3A_509 = tpu.vector_load %arg5[%swap3A_506, %swap3A_507, %swap3A_508] {strides = array<i32>} : memref<2x128x128xf32, #tpu.memory_space<vmem>>, vector<1x1x16xf32>,
        %swap3A_510 = vector.shape_cast %swap3A_509 : vector<1x1x16xf32> to vector<16xf32>
        %swap3A_511 = vector.shape_cast %select_n3A_500 : vector<16xf32> to vector<1x1x16xf32>
        tpu.vector_store %arg5[%swap3A_506, %swap3A_507, %swap3A_508], %swap3A_511 {strides = array<i32>} : memref<2x128x128xf32, #tpu.memory_space<vmem>>, vector<1x1x16xf32>,
        %mul3A_512 = arith.constant 128 : i32
        %mul3A_513 = arith.muli %scan3A_169, %mul3A_512 : i32
        %add3A_514 = arith.constant 80 : i32
        %add3A_515 = arith.addi %mul3A_513, %add3A_514 : i32
        %get3A_516 = arith.constant 0 : i32
        %get3A_517 = arith.index_cast %get3A_516 : i32 to index
        %get3A_518 = arith.index_cast %add3A_515 : i32 to index
        %get3A_519 = tpu.vector_load %arg4[%get3A_517, %get3A_518] {strides = array<i32>} : memref<2x4096xi32, #tpu.memory_space<vmem>>, vector<1x16xi32>,
        %get3A_520 = vector.shape_cast %get3A_519 : vector<1x16xi32> to vector<16xi32>
        %eq3A_521 = arith.constant 0 : i32
        %eq3A_522 = vector.broadcast %eq3A_521 : i32 to vector<16xi32>
        %eq3A_523 = arith.cmpi eq, %get3A_520, %eq3A_522 : vector<16xi32>
        %select_n3A_524 = arith.select %eq3A_523, %broadcast_in_dim3A_1, %broadcast_in_dim3A_3 : vector<16xi1>, vector<16xf32>
        %mul3A_525 = arith.constant 4 : i32
        %mul3A_526 = arith.muli %mul3A_525, %scan3A_169 : i32
        %add3A_527 = arith.constant 0 : i32
        %add3A_528 = arith.addi %mul3A_526, %add3A_527 : i32
        %swap3A_529 = arith.constant 0 : i32
        %swap3A_530 = arith.index_cast %swap3A_529 : i32 to index
        %swap3A_531 = arith.index_cast %add3A_528 : i32 to index
        %swap3A_532 = arith.constant 80 : index
        %swap3A_533 = tpu.vector_load %arg5[%swap3A_530, %swap3A_531, %swap3A_532] {strides = array<i32>} : memref<2x128x128xf32, #tpu.memory_space<vmem>>, vector<1x1x16xf32>,
        %swap3A_534 = vector.shape_cast %swap3A_533 : vector<1x1x16xf32> to vector<16xf32>
        %swap3A_535 = vector.shape_cast %select_n3A_524 : vector<16xf32> to vector<1x1x16xf32>
        tpu.vector_store %arg5[%swap3A_530, %swap3A_531, %swap3A_532], %swap3A_535 {strides = array<i32>} : memref<2x128x128xf32, #tpu.memory_space<vmem>>, vector<1x1x16xf32>,
        %eq3A_536 = arith.constant 1 : i32
        %eq3A_537 = vector.broadcast %eq3A_536 : i32 to vector<16xi32>
        %eq3A_538 = arith.cmpi eq, %get3A_520, %eq3A_537 : vector<16xi32>
        %select_n3A_539 = arith.select %eq3A_538, %broadcast_in_dim3A_1, %broadcast_in_dim3A_3 : vector<16xi1>, vector<16xf32>
        %mul3A_540 = arith.constant 4 : i32
        %mul3A_541 = arith.muli %mul3A_540, %scan3A_169 : i32
        %add3A_542 = arith.constant 1 : i32
        %add3A_543 = arith.addi %mul3A_541, %add3A_542 : i32
        %swap3A_544 = arith.constant 0 : i32
        %swap3A_545 = arith.index_cast %swap3A_544 : i32 to index
        %swap3A_546 = arith.index_cast %add3A_543 : i32 to index
        %swap3A_547 = arith.constant 80 : index
        %swap3A_548 = tpu.vector_load %arg5[%swap3A_545, %swap3A_546, %swap3A_547] {strides = array<i32>} : memref<2x128x128xf32, #tpu.memory_space<vmem>>, vector<1x1x16xf32>,
        %swap3A_549 = vector.shape_cast %swap3A_548 : vector<1x1x16xf32> to vector<16xf32>
        %swap3A_550 = vector.shape_cast %select_n3A_539 : vector<16xf32> to vector<1x1x16xf32>
        tpu.vector_store %arg5[%swap3A_545, %swap3A_546, %swap3A_547], %swap3A_550 {strides = array<i32>} : memref<2x128x128xf32, #tpu.memory_space<vmem>>, vector<1x1x16xf32>,
        %eq3A_551 = arith.constant 2 : i32
        %eq3A_552 = vector.broadcast %eq3A_551 : i32 to vector<16xi32>
        %eq3A_553 = arith.cmpi eq, %get3A_520, %eq3A_552 : vector<16xi32>
        %select_n3A_554 = arith.select %eq3A_553, %broadcast_in_dim3A_1, %broadcast_in_dim3A_3 : vector<16xi1>, vector<16xf32>
        %mul3A_555 = arith.constant 4 : i32
        %mul3A_556 = arith.muli %mul3A_555, %scan3A_169 : i32
        %add3A_557 = arith.constant 2 : i32
        %add3A_558 = arith.addi %mul3A_556, %add3A_557 : i32
        %swap3A_559 = arith.constant 0 : i32
        %swap3A_560 = arith.index_cast %swap3A_559 : i32 to index
        %swap3A_561 = arith.index_cast %add3A_558 : i32 to index
        %swap3A_562 = arith.constant 80 : index
        %swap3A_563 = tpu.vector_load %arg5[%swap3A_560, %swap3A_561, %swap3A_562] {strides = array<i32>} : memref<2x128x128xf32, #tpu.memory_space<vmem>>, vector<1x1x16xf32>,
        %swap3A_564 = vector.shape_cast %swap3A_563 : vector<1x1x16xf32> to vector<16xf32>
        %swap3A_565 = vector.shape_cast %select_n3A_554 : vector<16xf32> to vector<1x1x16xf32>
        tpu.vector_store %arg5[%swap3A_560, %swap3A_561, %swap3A_562], %swap3A_565 {strides = array<i32>} : memref<2x128x128xf32, #tpu.memory_space<vmem>>, vector<1x1x16xf32>,
        %eq3A_566 = arith.constant 3 : i32
        %eq3A_567 = vector.broadcast %eq3A_566 : i32 to vector<16xi32>
        %eq3A_568 = arith.cmpi eq, %get3A_520, %eq3A_567 : vector<16xi32>
        %select_n3A_569 = arith.select %eq3A_568, %broadcast_in_dim3A_1, %broadcast_in_dim3A_3 : vector<16xi1>, vector<16xf32>
        %mul3A_570 = arith.constant 4 : i32
        %mul3A_571 = arith.muli %mul3A_570, %scan3A_169 : i32
        %add3A_572 = arith.constant 3 : i32
        %add3A_573 = arith.addi %mul3A_571, %add3A_572 : i32
        %swap3A_574 = arith.constant 0 : i32
        %swap3A_575 = arith.index_cast %swap3A_574 : i32 to index
        %swap3A_576 = arith.index_cast %add3A_573 : i32 to index
        %swap3A_577 = arith.constant 80 : index
        %swap3A_578 = tpu.vector_load %arg5[%swap3A_575, %swap3A_576, %swap3A_577] {strides = array<i32>} : memref<2x128x128xf32, #tpu.memory_space<vmem>>, vector<1x1x16xf32>,
        %swap3A_579 = vector.shape_cast %swap3A_578 : vector<1x1x16xf32> to vector<16xf32>
        %swap3A_580 = vector.shape_cast %select_n3A_569 : vector<16xf32> to vector<1x1x16xf32>
        tpu.vector_store %arg5[%swap3A_575, %swap3A_576, %swap3A_577], %swap3A_580 {strides = array<i32>} : memref<2x128x128xf32, #tpu.memory_space<vmem>>, vector<1x1x16xf32>,
        %mul3A_581 = arith.constant 128 : i32
        %mul3A_582 = arith.muli %scan3A_169, %mul3A_581 : i32
        %add3A_583 = arith.constant 96 : i32
        %add3A_584 = arith.addi %mul3A_582, %add3A_583 : i32
        %get3A_585 = arith.constant 0 : i32
        %get3A_586 = arith.index_cast %get3A_585 : i32 to index
        %get3A_587 = arith.index_cast %add3A_584 : i32 to index
        %get3A_588 = tpu.vector_load %arg4[%get3A_586, %get3A_587] {strides = array<i32>} : memref<2x4096xi32, #tpu.memory_space<vmem>>, vector<1x16xi32>,
        %get3A_589 = vector.shape_cast %get3A_588 : vector<1x16xi32> to vector<16xi32>
        %eq3A_590 = arith.constant 0 : i32
        %eq3A_591 = vector.broadcast %eq3A_590 : i32 to vector<16xi32>
        %eq3A_592 = arith.cmpi eq, %get3A_589, %eq3A_591 : vector<16xi32>
        %select_n3A_593 = arith.select %eq3A_592, %broadcast_in_dim3A_1, %broadcast_in_dim3A_3 : vector<16xi1>, vector<16xf32>
        %mul3A_594 = arith.constant 4 : i32
        %mul3A_595 = arith.muli %mul3A_594, %scan3A_169 : i32
        %add3A_596 = arith.constant 0 : i32
        %add3A_597 = arith.addi %mul3A_595, %add3A_596 : i32
        %swap3A_598 = arith.constant 0 : i32
        %swap3A_599 = arith.index_cast %swap3A_598 : i32 to index
        %swap3A_600 = arith.index_cast %add3A_597 : i32 to index
        %swap3A_601 = arith.constant 96 : index
        %swap3A_602 = tpu.vector_load %arg5[%swap3A_599, %swap3A_600, %swap3A_601] {strides = array<i32>} : memref<2x128x128xf32, #tpu.memory_space<vmem>>, vector<1x1x16xf32>,
        %swap3A_603 = vector.shape_cast %swap3A_602 : vector<1x1x16xf32> to vector<16xf32>
        %swap3A_604 = vector.shape_cast %select_n3A_593 : vector<16xf32> to vector<1x1x16xf32>
        tpu.vector_store %arg5[%swap3A_599, %swap3A_600, %swap3A_601], %swap3A_604 {strides = array<i32>} : memref<2x128x128xf32, #tpu.memory_space<vmem>>, vector<1x1x16xf32>,
        %eq3A_605 = arith.constant 1 : i32
        %eq3A_606 = vector.broadcast %eq3A_605 : i32 to vector<16xi32>
        %eq3A_607 = arith.cmpi eq, %get3A_589, %eq3A_606 : vector<16xi32>
        %select_n3A_608 = arith.select %eq3A_607, %broadcast_in_dim3A_1, %broadcast_in_dim3A_3 : vector<16xi1>, vector<16xf32>
        %mul3A_609 = arith.constant 4 : i32
        %mul3A_610 = arith.muli %mul3A_609, %scan3A_169 : i32
        %add3A_611 = arith.constant 1 : i32
        %add3A_612 = arith.addi %mul3A_610, %add3A_611 : i32
        %swap3A_613 = arith.constant 0 : i32
        %swap3A_614 = arith.index_cast %swap3A_613 : i32 to index
        %swap3A_615 = arith.index_cast %add3A_612 : i32 to index
        %swap3A_616 = arith.constant 96 : index
        %swap3A_617 = tpu.vector_load %arg5[%swap3A_614, %swap3A_615, %swap3A_616] {strides = array<i32>} : memref<2x128x128xf32, #tpu.memory_space<vmem>>, vector<1x1x16xf32>,
        %swap3A_618 = vector.shape_cast %swap3A_617 : vector<1x1x16xf32> to vector<16xf32>
        %swap3A_619 = vector.shape_cast %select_n3A_608 : vector<16xf32> to vector<1x1x16xf32>
        tpu.vector_store %arg5[%swap3A_614, %swap3A_615, %swap3A_616], %swap3A_619 {strides = array<i32>} : memref<2x128x128xf32, #tpu.memory_space<vmem>>, vector<1x1x16xf32>,
        %eq3A_620 = arith.constant 2 : i32
        %eq3A_621 = vector.broadcast %eq3A_620 : i32 to vector<16xi32>
        %eq3A_622 = arith.cmpi eq, %get3A_589, %eq3A_621 : vector<16xi32>
        %select_n3A_623 = arith.select %eq3A_622, %broadcast_in_dim3A_1, %broadcast_in_dim3A_3 : vector<16xi1>, vector<16xf32>
        %mul3A_624 = arith.constant 4 : i32
        %mul3A_625 = arith.muli %mul3A_624, %scan3A_169 : i32
        %add3A_626 = arith.constant 2 : i32
        %add3A_627 = arith.addi %mul3A_625, %add3A_626 : i32
        %swap3A_628 = arith.constant 0 : i32
        %swap3A_629 = arith.index_cast %swap3A_628 : i32 to index
        %swap3A_630 = arith.index_cast %add3A_627 : i32 to index
        %swap3A_631 = arith.constant 96 : index
        %swap3A_632 = tpu.vector_load %arg5[%swap3A_629, %swap3A_630, %swap3A_631] {strides = array<i32>} : memref<2x128x128xf32, #tpu.memory_space<vmem>>, vector<1x1x16xf32>,
        %swap3A_633 = vector.shape_cast %swap3A_632 : vector<1x1x16xf32> to vector<16xf32>
        %swap3A_634 = vector.shape_cast %select_n3A_623 : vector<16xf32> to vector<1x1x16xf32>
        tpu.vector_store %arg5[%swap3A_629, %swap3A_630, %swap3A_631], %swap3A_634 {strides = array<i32>} : memref<2x128x128xf32, #tpu.memory_space<vmem>>, vector<1x1x16xf32>,
        %eq3A_635 = arith.constant 3 : i32
        %eq3A_636 = vector.broadcast %eq3A_635 : i32 to vector<16xi32>
        %eq3A_637 = arith.cmpi eq, %get3A_589, %eq3A_636 : vector<16xi32>
        %select_n3A_638 = arith.select %eq3A_637, %broadcast_in_dim3A_1, %broadcast_in_dim3A_3 : vector<16xi1>, vector<16xf32>
        %mul3A_639 = arith.constant 4 : i32
        %mul3A_640 = arith.muli %mul3A_639, %scan3A_169 : i32
        %add3A_641 = arith.constant 3 : i32
        %add3A_642 = arith.addi %mul3A_640, %add3A_641 : i32
        %swap3A_643 = arith.constant 0 : i32
        %swap3A_644 = arith.index_cast %swap3A_643 : i32 to index
        %swap3A_645 = arith.index_cast %add3A_642 : i32 to index
        %swap3A_646 = arith.constant 96 : index
        %swap3A_647 = tpu.vector_load %arg5[%swap3A_644, %swap3A_645, %swap3A_646] {strides = array<i32>} : memref<2x128x128xf32, #tpu.memory_space<vmem>>, vector<1x1x16xf32>,
        %swap3A_648 = vector.shape_cast %swap3A_647 : vector<1x1x16xf32> to vector<16xf32>
        %swap3A_649 = vector.shape_cast %select_n3A_638 : vector<16xf32> to vector<1x1x16xf32>
        tpu.vector_store %arg5[%swap3A_644, %swap3A_645, %swap3A_646], %swap3A_649 {strides = array<i32>} : memref<2x128x128xf32, #tpu.memory_space<vmem>>, vector<1x1x16xf32>,
        %mul3A_650 = arith.constant 128 : i32
        %mul3A_651 = arith.muli %scan3A_169, %mul3A_650 : i32
        %add3A_652 = arith.constant 112 : i32
        %add3A_653 = arith.addi %mul3A_651, %add3A_652 : i32
        %get3A_654 = arith.constant 0 : i32
        %get3A_655 = arith.index_cast %get3A_654 : i32 to index
        %get3A_656 = arith.index_cast %add3A_653 : i32 to index
        %get3A_657 = tpu.vector_load %arg4[%get3A_655, %get3A_656] {strides = array<i32>} : memref<2x4096xi32, #tpu.memory_space<vmem>>, vector<1x16xi32>,
        %get3A_658 = vector.shape_cast %get3A_657 : vector<1x16xi32> to vector<16xi32>
        %eq3A_659 = arith.constant 0 : i32
        %eq3A_660 = vector.broadcast %eq3A_659 : i32 to vector<16xi32>
        %eq3A_661 = arith.cmpi eq, %get3A_658, %eq3A_660 : vector<16xi32>
        %select_n3A_662 = arith.select %eq3A_661, %broadcast_in_dim3A_1, %broadcast_in_dim3A_3 : vector<16xi1>, vector<16xf32>
        %mul3A_663 = arith.constant 4 : i32
        %mul3A_664 = arith.muli %mul3A_663, %scan3A_169 : i32
        %add3A_665 = arith.constant 0 : i32
        %add3A_666 = arith.addi %mul3A_664, %add3A_665 : i32
        %swap3A_667 = arith.constant 0 : i32
        %swap3A_668 = arith.index_cast %swap3A_667 : i32 to index
        %swap3A_669 = arith.index_cast %add3A_666 : i32 to index
        %swap3A_670 = arith.constant 112 : index
        %swap3A_671 = tpu.vector_load %arg5[%swap3A_668, %swap3A_669, %swap3A_670] {strides = array<i32>} : memref<2x128x128xf32, #tpu.memory_space<vmem>>, vector<1x1x16xf32>,
        %swap3A_672 = vector.shape_cast %swap3A_671 : vector<1x1x16xf32> to vector<16xf32>
        %swap3A_673 = vector.shape_cast %select_n3A_662 : vector<16xf32> to vector<1x1x16xf32>
        tpu.vector_store %arg5[%swap3A_668, %swap3A_669, %swap3A_670], %swap3A_673 {strides = array<i32>} : memref<2x128x128xf32, #tpu.memory_space<vmem>>, vector<1x1x16xf32>,
        %eq3A_674 = arith.constant 1 : i32
        %eq3A_675 = vector.broadcast %eq3A_674 : i32 to vector<16xi32>
        %eq3A_676 = arith.cmpi eq, %get3A_658, %eq3A_675 : vector<16xi32>
        %select_n3A_677 = arith.select %eq3A_676, %broadcast_in_dim3A_1, %broadcast_in_dim3A_3 : vector<16xi1>, vector<16xf32>
        %mul3A_678 = arith.constant 4 : i32
        %mul3A_679 = arith.muli %mul3A_678, %scan3A_169 : i32
        %add3A_680 = arith.constant 1 : i32
        %add3A_681 = arith.addi %mul3A_679, %add3A_680 : i32
        %swap3A_682 = arith.constant 0 : i32
        %swap3A_683 = arith.index_cast %swap3A_682 : i32 to index
        %swap3A_684 = arith.index_cast %add3A_681 : i32 to index
        %swap3A_685 = arith.constant 112 : index
        %swap3A_686 = tpu.vector_load %arg5[%swap3A_683, %swap3A_684, %swap3A_685] {strides = array<i32>} : memref<2x128x128xf32, #tpu.memory_space<vmem>>, vector<1x1x16xf32>,
        %swap3A_687 = vector.shape_cast %swap3A_686 : vector<1x1x16xf32> to vector<16xf32>
        %swap3A_688 = vector.shape_cast %select_n3A_677 : vector<16xf32> to vector<1x1x16xf32>
        tpu.vector_store %arg5[%swap3A_683, %swap3A_684, %swap3A_685], %swap3A_688 {strides = array<i32>} : memref<2x128x128xf32, #tpu.memory_space<vmem>>, vector<1x1x16xf32>,
        %eq3A_689 = arith.constant 2 : i32
        %eq3A_690 = vector.broadcast %eq3A_689 : i32 to vector<16xi32>
        %eq3A_691 = arith.cmpi eq, %get3A_658, %eq3A_690 : vector<16xi32>
        %select_n3A_692 = arith.select %eq3A_691, %broadcast_in_dim3A_1, %broadcast_in_dim3A_3 : vector<16xi1>, vector<16xf32>
        %mul3A_693 = arith.constant 4 : i32
        %mul3A_694 = arith.muli %mul3A_693, %scan3A_169 : i32
        %add3A_695 = arith.constant 2 : i32
        %add3A_696 = arith.addi %mul3A_694, %add3A_695 : i32
        %swap3A_697 = arith.constant 0 : i32
        %swap3A_698 = arith.index_cast %swap3A_697 : i32 to index
        %swap3A_699 = arith.index_cast %add3A_696 : i32 to index
        %swap3A_700 = arith.constant 112 : index
        %swap3A_701 = tpu.vector_load %arg5[%swap3A_698, %swap3A_699, %swap3A_700] {strides = array<i32>} : memref<2x128x128xf32, #tpu.memory_space<vmem>>, vector<1x1x16xf32>,
        %swap3A_702 = vector.shape_cast %swap3A_701 : vector<1x1x16xf32> to vector<16xf32>
        %swap3A_703 = vector.shape_cast %select_n3A_692 : vector<16xf32> to vector<1x1x16xf32>
        tpu.vector_store %arg5[%swap3A_698, %swap3A_699, %swap3A_700], %swap3A_703 {strides = array<i32>} : memref<2x128x128xf32, #tpu.memory_space<vmem>>, vector<1x1x16xf32>,
        %eq3A_704 = arith.constant 3 : i32
        %eq3A_705 = vector.broadcast %eq3A_704 : i32 to vector<16xi32>
        %eq3A_706 = arith.cmpi eq, %get3A_658, %eq3A_705 : vector<16xi32>
        %select_n3A_707 = arith.select %eq3A_706, %broadcast_in_dim3A_1, %broadcast_in_dim3A_3 : vector<16xi1>, vector<16xf32>
        %mul3A_708 = arith.constant 4 : i32
        %mul3A_709 = arith.muli %mul3A_708, %scan3A_169 : i32
        %add3A_710 = arith.constant 3 : i32
        %add3A_711 = arith.addi %mul3A_709, %add3A_710 : i32
        %swap3A_712 = arith.constant 0 : i32
        %swap3A_713 = arith.index_cast %swap3A_712 : i32 to index
        %swap3A_714 = arith.index_cast %add3A_711 : i32 to index
        %swap3A_715 = arith.constant 112 : index
        %swap3A_716 = tpu.vector_load %arg5[%swap3A_713, %swap3A_714, %swap3A_715] {strides = array<i32>} : memref<2x128x128xf32, #tpu.memory_space<vmem>>, vector<1x1x16xf32>,
        %swap3A_717 = vector.shape_cast %swap3A_716 : vector<1x1x16xf32> to vector<16xf32>
        %swap3A_718 = vector.shape_cast %select_n3A_707 : vector<16xf32> to vector<1x1x16xf32>
        tpu.vector_store %arg5[%swap3A_713, %swap3A_714, %swap3A_715], %swap3A_718 {strides = array<i32>} : memref<2x128x128xf32, #tpu.memory_space<vmem>>, vector<1x1x16xf32>,
      }
      %scan3A_88 = arith.constant 32 : i32
      %dma_start3A = arith.constant 0 : i32
      %dma_start3A_89 = arith.constant 0 : i32
      %dma_start3A_90 = arith.constant 0 : i32
      %dma_start3A_91 = arith.constant 0 : i32
      %dma_start3A_92 = tpu.memref_slice %arg5[%dma_start3A, %dma_start3A_90, %dma_start3A_91] : memref<2x128x128xf32, #tpu.memory_space<vmem>> -> memref<1x128x128xf32, #tpu.memory_space<vmem>>
      %dma_start3A_93 = tpu.memref_squeeze %dma_start3A_92 : memref<1x128x128xf32, #tpu.memory_space<vmem>> -> memref<128x128xf32, #tpu.memory_space<vmem>>
      %dma_start3A_94 = arith.constant 0 : i32
      %dma_start3A_95 = arith.constant 0 : i32
      %dma_start3A_96 = tpu.memref_slice %arg3[%add3A_60, %dma_start3A_94, %dma_start3A_95] : memref<1024x128x128xf32, #tpu.memory_space<hbm>> -> memref<1x128x128xf32, #tpu.memory_space<hbm>>
      %dma_start3A_97 = tpu.memref_squeeze %dma_start3A_96 : memref<1x128x128xf32, #tpu.memory_space<hbm>> -> memref<128x128xf32, #tpu.memory_space<hbm>>
      %dma_start3A_98 = tpu.memref_slice %arg7[%dma_start3A_89] : memref<2x!tpu.dma_semaphore, #tpu.memory_space<semaphore_mem>> -> memref<1x!tpu.dma_semaphore, #tpu.memory_space<semaphore_mem>>
      %dma_start3A_99 = tpu.memref_squeeze %dma_start3A_98 : memref<1x!tpu.dma_semaphore, #tpu.memory_space<semaphore_mem>> -> memref<!tpu.dma_semaphore, #tpu.memory_space<semaphore_mem>>
      %dma_start3A_100 = arith.constant 0 : i32
      %dma_start3A_101 = arith.constant 0 : i32
      %dma_start3A_102 = tpu.memref_slice %arg3[%add3A_60, %dma_start3A_100, %dma_start3A_101] : memref<1024x128x128xf32, #tpu.memory_space<hbm>> -> memref<1x128x128xf32, #tpu.memory_space<hbm>>
      %dma_start3A_103 = tpu.memref_squeeze %dma_start3A_102 : memref<1x128x128xf32, #tpu.memory_space<hbm>> -> memref<128x128xf32, #tpu.memory_space<hbm>>
      %dma_start3A_104 = arith.constant 0 : i32
      %dma_start3A_105 = arith.constant 0 : i32
      %dma_start3A_106 = tpu.memref_slice %arg5[%dma_start3A, %dma_start3A_104, %dma_start3A_105] : memref<2x128x128xf32, #tpu.memory_space<vmem>> -> memref<1x128x128xf32, #tpu.memory_space<vmem>>
      %dma_start3A_107 = tpu.memref_squeeze %dma_start3A_106 : memref<1x128x128xf32, #tpu.memory_space<vmem>> -> memref<128x128xf32, #tpu.memory_space<vmem>>
      tpu.enqueue_dma source(%dma_start3A_107 : memref<128x128xf32, #tpu.memory_space<vmem>>) target(%dma_start3A_103 : memref<128x128xf32, #tpu.memory_space<hbm>>) target_semaphore(%dma_start3A_99 : memref<!tpu.dma_semaphore, #tpu.memory_space<semaphore_mem>>)
      %add3A_108 = arith.constant 1 : i32
      %add3A_109 = arith.addi %scan3A_55, %add3A_108 : i32
      %lt3A = arith.constant 16 : i32
      %lt3A_110 = arith.cmpi slt, %add3A_109, %lt3A : i32
      %convert_element_type3A_111 = arith.extui %lt3A_110 : i1 to i32
      %cond3A_112 = arith.constant 0 : i32
      %cond3A_113 = arith.cmpi ne, %convert_element_type3A_111, %cond3A_112 : i32
      scf.if %cond3A_113 {
        %add3A_169 = arith.constant 2 : i32
        %add3A_170 = arith.addi %add3A_60, %add3A_169 : i32
        %dma_start3A_171 = arith.constant 0 : i32
        %dma_start3A_172 = arith.constant 0 : i32
        %dma_start3A_173 = arith.constant 0 : i32
        %dma_start3A_174 = tpu.memref_slice %arg4[%dma_start3A_171, %dma_start3A_173] : memref<2x4096xi32, #tpu.memory_space<vmem>> -> memref<1x4096xi32, #tpu.memory_space<vmem>>
        %dma_start3A_175 = tpu.memref_squeeze %dma_start3A_174 : memref<1x4096xi32, #tpu.memory_space<vmem>> -> memref<4096xi32, #tpu.memory_space<vmem>>
        %dma_start3A_176 = arith.constant 0 : i32
        %dma_start3A_177 = tpu.memref_slice %arg2[%add3A_170, %dma_start3A_176] : memref<1024x4096xi32, #tpu.memory_space<hbm>> -> memref<1x4096xi32, #tpu.memory_space<hbm>>
        %dma_start3A_178 = tpu.memref_squeeze %dma_start3A_177 : memref<1x4096xi32, #tpu.memory_space<hbm>> -> memref<4096xi32, #tpu.memory_space<hbm>>
        %dma_start3A_179 = tpu.memref_slice %arg6[%dma_start3A_172] : memref<2x!tpu.dma_semaphore, #tpu.memory_space<semaphore_mem>> -> memref<1x!tpu.dma_semaphore, #tpu.memory_space<semaphore_mem>>
        %dma_start3A_180 = tpu.memref_squeeze %dma_start3A_179 : memref<1x!tpu.dma_semaphore, #tpu.memory_space<semaphore_mem>> -> memref<!tpu.dma_semaphore, #tpu.memory_space<semaphore_mem>>
        %dma_start3A_181 = arith.constant 0 : i32
        %dma_start3A_182 = tpu.memref_slice %arg4[%dma_start3A_171, %dma_start3A_181] : memref<2x4096xi32, #tpu.memory_space<vmem>> -> memref<1x4096xi32, #tpu.memory_space<vmem>>
        %dma_start3A_183 = tpu.memref_squeeze %dma_start3A_182 : memref<1x4096xi32, #tpu.memory_space<vmem>> -> memref<4096xi32, #tpu.memory_space<vmem>>
        %dma_start3A_184 = arith.constant 0 : i32
        %dma_start3A_185 = tpu.memref_slice %arg2[%add3A_170, %dma_start3A_184] : memref<1024x4096xi32, #tpu.memory_space<hbm>> -> memref<1x4096xi32, #tpu.memory_space<hbm>>
        %dma_start3A_186 = tpu.memref_squeeze %dma_start3A_185 : memref<1x4096xi32, #tpu.memory_space<hbm>> -> memref<4096xi32, #tpu.memory_space<hbm>>
        tpu.enqueue_dma source(%dma_start3A_186 : memref<4096xi32, #tpu.memory_space<hbm>>) target(%dma_start3A_183 : memref<4096xi32, #tpu.memory_space<vmem>>) target_semaphore(%dma_start3A_180 : memref<!tpu.dma_semaphore, #tpu.memory_space<semaphore_mem>>)
      } else {
      }
      %add3A_114 = arith.constant 1 : i32
      %add3A_115 = arith.addi %add3A_60, %add3A_114 : i32
      %dma_wait3A_116 = arith.constant 1 : i32
      %dma_wait3A_117 = arith.constant 1 : i32
      %dma_wait3A_118 = arith.constant 0 : i32
      %dma_wait3A_119 = tpu.memref_slice %arg4[%dma_wait3A_116, %dma_wait3A_118] : memref<2x4096xi32, #tpu.memory_space<vmem>> -> memref<1x4096xi32, #tpu.memory_space<vmem>>
      %dma_wait3A_120 = tpu.memref_squeeze %dma_wait3A_119 : memref<1x4096xi32, #tpu.memory_space<vmem>> -> memref<4096xi32, #tpu.memory_space<vmem>>
      %dma_wait3A_121 = arith.constant 0 : i32
      %dma_wait3A_122 = tpu.memref_slice %arg2[%add3A_115, %dma_wait3A_121] : memref<1024x4096xi32, #tpu.memory_space<hbm>> -> memref<1x4096xi32, #tpu.memory_space<hbm>>
      %dma_wait3A_123 = tpu.memref_squeeze %dma_wait3A_122 : memref<1x4096xi32, #tpu.memory_space<hbm>> -> memref<4096xi32, #tpu.memory_space<hbm>>
      %dma_wait3A_124 = tpu.memref_slice %arg6[%dma_wait3A_117] : memref<2x!tpu.dma_semaphore, #tpu.memory_space<semaphore_mem>> -> memref<1x!tpu.dma_semaphore, #tpu.memory_space<semaphore_mem>>
      %dma_wait3A_125 = tpu.memref_squeeze %dma_wait3A_124 : memref<1x!tpu.dma_semaphore, #tpu.memory_space<semaphore_mem>> -> memref<!tpu.dma_semaphore, #tpu.memory_space<semaphore_mem>>
      %dma_wait3A_126 = arith.constant 0 : i32
      %dma_wait3A_127 = tpu.memref_slice %arg4[%dma_wait3A_116, %dma_wait3A_126] : memref<2x4096xi32, #tpu.memory_space<vmem>> -> memref<1x4096xi32, #tpu.memory_space<vmem>>
      %dma_wait3A_128 = tpu.memref_squeeze %dma_wait3A_127 : memref<1x4096xi32, #tpu.memory_space<vmem>> -> memref<4096xi32, #tpu.memory_space<vmem>>
      %dma_wait3A_129 = arith.constant 0 : i32
      %dma_wait3A_130 = tpu.memref_slice %arg2[%add3A_115, %dma_wait3A_129] : memref<1024x4096xi32, #tpu.memory_space<hbm>> -> memref<1x4096xi32, #tpu.memory_space<hbm>>
      %dma_wait3A_131 = tpu.memref_squeeze %dma_wait3A_130 : memref<1x4096xi32, #tpu.memory_space<hbm>> -> memref<4096xi32, #tpu.memory_space<hbm>>
      tpu.wait_dma2 semaphore(%dma_wait3A_125 : memref<!tpu.dma_semaphore, #tpu.memory_space<semaphore_mem>>) src(%dma_wait3A_131 : memref<4096xi32, #tpu.memory_space<hbm>>) dst(%dma_wait3A_128 : memref<4096xi32, #tpu.memory_space<vmem>>)
      %add3A_132 = arith.constant 1 : i32
      %add3A_133 = arith.addi %add3A_60, %add3A_132 : i32
      %scan3A_134 = arith.constant 0 : i32
      %scan3A_135 = arith.constant 0 : i32
      %scan3A_136 = arith.constant 32 : i32
      %scan3A_137 = arith.addi %scan3A_135, %scan3A_136 : i32
      %scan3A_138 = arith.constant 1 : i32
      scf.for %scan3A_169 = %scan3A_135 to %scan3A_137 step %scan3A_138  : i32 {
        %mul3A_170 = arith.constant 128 : i32
        %mul3A_171 = arith.muli %scan3A_169, %mul3A_170 : i32
        %add3A_172 = arith.constant 0 : i32
        %add3A_173 = arith.addi %mul3A_171, %add3A_172 : i32
        %get3A = arith.constant 1 : i32
        %get3A_174 = arith.index_cast %get3A : i32 to index
        %get3A_175 = arith.index_cast %add3A_173 : i32 to index
        %get3A_176 = tpu.vector_load %arg4[%get3A_174, %get3A_175] {strides = array<i32>} : memref<2x4096xi32, #tpu.memory_space<vmem>>, vector<1x16xi32>,
        %get3A_177 = vector.shape_cast %get3A_176 : vector<1x16xi32> to vector<16xi32>
        %eq3A_178 = arith.constant 0 : i32
        %eq3A_179 = vector.broadcast %eq3A_178 : i32 to vector<16xi32>
        %eq3A_180 = arith.cmpi eq, %get3A_177, %eq3A_179 : vector<16xi32>
        %select_n3A = arith.select %eq3A_180, %broadcast_in_dim3A_1, %broadcast_in_dim3A_3 : vector<16xi1>, vector<16xf32>
        %mul3A_181 = arith.constant 4 : i32
        %mul3A_182 = arith.muli %mul3A_181, %scan3A_169 : i32
        %add3A_183 = arith.constant 0 : i32
        %add3A_184 = arith.addi %mul3A_182, %add3A_183 : i32
        %swap3A = arith.constant 1 : i32
        %swap3A_185 = arith.index_cast %swap3A : i32 to index
        %swap3A_186 = arith.index_cast %add3A_184 : i32 to index
        %swap3A_187 = arith.constant 0 : index
        %swap3A_188 = tpu.vector_load %arg5[%swap3A_185, %swap3A_186, %swap3A_187] {strides = array<i32>} : memref<2x128x128xf32, #tpu.memory_space<vmem>>, vector<1x1x16xf32>,
        %swap3A_189 = vector.shape_cast %swap3A_188 : vector<1x1x16xf32> to vector<16xf32>
        %swap3A_190 = vector.shape_cast %select_n3A : vector<16xf32> to vector<1x1x16xf32>
        tpu.vector_store %arg5[%swap3A_185, %swap3A_186, %swap3A_187], %swap3A_190 {strides = array<i32>} : memref<2x128x128xf32, #tpu.memory_space<vmem>>, vector<1x1x16xf32>,
        %eq3A_191 = arith.constant 1 : i32
        %eq3A_192 = vector.broadcast %eq3A_191 : i32 to vector<16xi32>
        %eq3A_193 = arith.cmpi eq, %get3A_177, %eq3A_192 : vector<16xi32>
        %select_n3A_194 = arith.select %eq3A_193, %broadcast_in_dim3A_1, %broadcast_in_dim3A_3 : vector<16xi1>, vector<16xf32>
        %mul3A_195 = arith.constant 4 : i32
        %mul3A_196 = arith.muli %mul3A_195, %scan3A_169 : i32
        %add3A_197 = arith.constant 1 : i32
        %add3A_198 = arith.addi %mul3A_196, %add3A_197 : i32
        %swap3A_199 = arith.constant 1 : i32
        %swap3A_200 = arith.index_cast %swap3A_199 : i32 to index
        %swap3A_201 = arith.index_cast %add3A_198 : i32 to index
        %swap3A_202 = arith.constant 0 : index
        %swap3A_203 = tpu.vector_load %arg5[%swap3A_200, %swap3A_201, %swap3A_202] {strides = array<i32>} : memref<2x128x128xf32, #tpu.memory_space<vmem>>, vector<1x1x16xf32>,
        %swap3A_204 = vector.shape_cast %swap3A_203 : vector<1x1x16xf32> to vector<16xf32>
        %swap3A_205 = vector.shape_cast %select_n3A_194 : vector<16xf32> to vector<1x1x16xf32>
        tpu.vector_store %arg5[%swap3A_200, %swap3A_201, %swap3A_202], %swap3A_205 {strides = array<i32>} : memref<2x128x128xf32, #tpu.memory_space<vmem>>, vector<1x1x16xf32>,
        %eq3A_206 = arith.constant 2 : i32
        %eq3A_207 = vector.broadcast %eq3A_206 : i32 to vector<16xi32>
        %eq3A_208 = arith.cmpi eq, %get3A_177, %eq3A_207 : vector<16xi32>
        %select_n3A_209 = arith.select %eq3A_208, %broadcast_in_dim3A_1, %broadcast_in_dim3A_3 : vector<16xi1>, vector<16xf32>
        %mul3A_210 = arith.constant 4 : i32
        %mul3A_211 = arith.muli %mul3A_210, %scan3A_169 : i32
        %add3A_212 = arith.constant 2 : i32
        %add3A_213 = arith.addi %mul3A_211, %add3A_212 : i32
        %swap3A_214 = arith.constant 1 : i32
        %swap3A_215 = arith.index_cast %swap3A_214 : i32 to index
        %swap3A_216 = arith.index_cast %add3A_213 : i32 to index
        %swap3A_217 = arith.constant 0 : index
        %swap3A_218 = tpu.vector_load %arg5[%swap3A_215, %swap3A_216, %swap3A_217] {strides = array<i32>} : memref<2x128x128xf32, #tpu.memory_space<vmem>>, vector<1x1x16xf32>,
        %swap3A_219 = vector.shape_cast %swap3A_218 : vector<1x1x16xf32> to vector<16xf32>
        %swap3A_220 = vector.shape_cast %select_n3A_209 : vector<16xf32> to vector<1x1x16xf32>
        tpu.vector_store %arg5[%swap3A_215, %swap3A_216, %swap3A_217], %swap3A_220 {strides = array<i32>} : memref<2x128x128xf32, #tpu.memory_space<vmem>>, vector<1x1x16xf32>,
        %eq3A_221 = arith.constant 3 : i32
        %eq3A_222 = vector.broadcast %eq3A_221 : i32 to vector<16xi32>
        %eq3A_223 = arith.cmpi eq, %get3A_177, %eq3A_222 : vector<16xi32>
        %select_n3A_224 = arith.select %eq3A_223, %broadcast_in_dim3A_1, %broadcast_in_dim3A_3 : vector<16xi1>, vector<16xf32>
        %mul3A_225 = arith.constant 4 : i32
        %mul3A_226 = arith.muli %mul3A_225, %scan3A_169 : i32
        %add3A_227 = arith.constant 3 : i32
        %add3A_228 = arith.addi %mul3A_226, %add3A_227 : i32
        %swap3A_229 = arith.constant 1 : i32
        %swap3A_230 = arith.index_cast %swap3A_229 : i32 to index
        %swap3A_231 = arith.index_cast %add3A_228 : i32 to index
        %swap3A_232 = arith.constant 0 : index
        %swap3A_233 = tpu.vector_load %arg5[%swap3A_230, %swap3A_231, %swap3A_232] {strides = array<i32>} : memref<2x128x128xf32, #tpu.memory_space<vmem>>, vector<1x1x16xf32>,
        %swap3A_234 = vector.shape_cast %swap3A_233 : vector<1x1x16xf32> to vector<16xf32>
        %swap3A_235 = vector.shape_cast %select_n3A_224 : vector<16xf32> to vector<1x1x16xf32>
        tpu.vector_store %arg5[%swap3A_230, %swap3A_231, %swap3A_232], %swap3A_235 {strides = array<i32>} : memref<2x128x128xf32, #tpu.memory_space<vmem>>, vector<1x1x16xf32>,
        %mul3A_236 = arith.constant 128 : i32
        %mul3A_237 = arith.muli %scan3A_169, %mul3A_236 : i32
        %add3A_238 = arith.constant 16 : i32
        %add3A_239 = arith.addi %mul3A_237, %add3A_238 : i32
        %get3A_240 = arith.constant 1 : i32
        %get3A_241 = arith.index_cast %get3A_240 : i32 to index
        %get3A_242 = arith.index_cast %add3A_239 : i32 to index
        %get3A_243 = tpu.vector_load %arg4[%get3A_241, %get3A_242] {strides = array<i32>} : memref<2x4096xi32, #tpu.memory_space<vmem>>, vector<1x16xi32>,
        %get3A_244 = vector.shape_cast %get3A_243 : vector<1x16xi32> to vector<16xi32>
        %eq3A_245 = arith.constant 0 : i32
        %eq3A_246 = vector.broadcast %eq3A_245 : i32 to vector<16xi32>
        %eq3A_247 = arith.cmpi eq, %get3A_244, %eq3A_246 : vector<16xi32>
        %select_n3A_248 = arith.select %eq3A_247, %broadcast_in_dim3A_1, %broadcast_in_dim3A_3 : vector<16xi1>, vector<16xf32>
        %mul3A_249 = arith.constant 4 : i32
        %mul3A_250 = arith.muli %mul3A_249, %scan3A_169 : i32
        %add3A_251 = arith.constant 0 : i32
        %add3A_252 = arith.addi %mul3A_250, %add3A_251 : i32
        %swap3A_253 = arith.constant 1 : i32
        %swap3A_254 = arith.index_cast %swap3A_253 : i32 to index
        %swap3A_255 = arith.index_cast %add3A_252 : i32 to index
        %swap3A_256 = arith.constant 16 : index
        %swap3A_257 = tpu.vector_load %arg5[%swap3A_254, %swap3A_255, %swap3A_256] {strides = array<i32>} : memref<2x128x128xf32, #tpu.memory_space<vmem>>, vector<1x1x16xf32>,
        %swap3A_258 = vector.shape_cast %swap3A_257 : vector<1x1x16xf32> to vector<16xf32>
        %swap3A_259 = vector.shape_cast %select_n3A_248 : vector<16xf32> to vector<1x1x16xf32>
        tpu.vector_store %arg5[%swap3A_254, %swap3A_255, %swap3A_256], %swap3A_259 {strides = array<i32>} : memref<2x128x128xf32, #tpu.memory_space<vmem>>, vector<1x1x16xf32>,
        %eq3A_260 = arith.constant 1 : i32
        %eq3A_261 = vector.broadcast %eq3A_260 : i32 to vector<16xi32>
        %eq3A_262 = arith.cmpi eq, %get3A_244, %eq3A_261 : vector<16xi32>
        %select_n3A_263 = arith.select %eq3A_262, %broadcast_in_dim3A_1, %broadcast_in_dim3A_3 : vector<16xi1>, vector<16xf32>
        %mul3A_264 = arith.constant 4 : i32
        %mul3A_265 = arith.muli %mul3A_264, %scan3A_169 : i32
        %add3A_266 = arith.constant 1 : i32
        %add3A_267 = arith.addi %mul3A_265, %add3A_266 : i32
        %swap3A_268 = arith.constant 1 : i32
        %swap3A_269 = arith.index_cast %swap3A_268 : i32 to index
        %swap3A_270 = arith.index_cast %add3A_267 : i32 to index
        %swap3A_271 = arith.constant 16 : index
        %swap3A_272 = tpu.vector_load %arg5[%swap3A_269, %swap3A_270, %swap3A_271] {strides = array<i32>} : memref<2x128x128xf32, #tpu.memory_space<vmem>>, vector<1x1x16xf32>,
        %swap3A_273 = vector.shape_cast %swap3A_272 : vector<1x1x16xf32> to vector<16xf32>
        %swap3A_274 = vector.shape_cast %select_n3A_263 : vector<16xf32> to vector<1x1x16xf32>
        tpu.vector_store %arg5[%swap3A_269, %swap3A_270, %swap3A_271], %swap3A_274 {strides = array<i32>} : memref<2x128x128xf32, #tpu.memory_space<vmem>>, vector<1x1x16xf32>,
        %eq3A_275 = arith.constant 2 : i32
        %eq3A_276 = vector.broadcast %eq3A_275 : i32 to vector<16xi32>
        %eq3A_277 = arith.cmpi eq, %get3A_244, %eq3A_276 : vector<16xi32>
        %select_n3A_278 = arith.select %eq3A_277, %broadcast_in_dim3A_1, %broadcast_in_dim3A_3 : vector<16xi1>, vector<16xf32>
        %mul3A_279 = arith.constant 4 : i32
        %mul3A_280 = arith.muli %mul3A_279, %scan3A_169 : i32
        %add3A_281 = arith.constant 2 : i32
        %add3A_282 = arith.addi %mul3A_280, %add3A_281 : i32
        %swap3A_283 = arith.constant 1 : i32
        %swap3A_284 = arith.index_cast %swap3A_283 : i32 to index
        %swap3A_285 = arith.index_cast %add3A_282 : i32 to index
        %swap3A_286 = arith.constant 16 : index
        %swap3A_287 = tpu.vector_load %arg5[%swap3A_284, %swap3A_285, %swap3A_286] {strides = array<i32>} : memref<2x128x128xf32, #tpu.memory_space<vmem>>, vector<1x1x16xf32>,
        %swap3A_288 = vector.shape_cast %swap3A_287 : vector<1x1x16xf32> to vector<16xf32>
        %swap3A_289 = vector.shape_cast %select_n3A_278 : vector<16xf32> to vector<1x1x16xf32>
        tpu.vector_store %arg5[%swap3A_284, %swap3A_285, %swap3A_286], %swap3A_289 {strides = array<i32>} : memref<2x128x128xf32, #tpu.memory_space<vmem>>, vector<1x1x16xf32>,
        %eq3A_290 = arith.constant 3 : i32
        %eq3A_291 = vector.broadcast %eq3A_290 : i32 to vector<16xi32>
        %eq3A_292 = arith.cmpi eq, %get3A_244, %eq3A_291 : vector<16xi32>
        %select_n3A_293 = arith.select %eq3A_292, %broadcast_in_dim3A_1, %broadcast_in_dim3A_3 : vector<16xi1>, vector<16xf32>
        %mul3A_294 = arith.constant 4 : i32
        %mul3A_295 = arith.muli %mul3A_294, %scan3A_169 : i32
        %add3A_296 = arith.constant 3 : i32
        %add3A_297 = arith.addi %mul3A_295, %add3A_296 : i32
        %swap3A_298 = arith.constant 1 : i32
        %swap3A_299 = arith.index_cast %swap3A_298 : i32 to index
        %swap3A_300 = arith.index_cast %add3A_297 : i32 to index
        %swap3A_301 = arith.constant 16 : index
        %swap3A_302 = tpu.vector_load %arg5[%swap3A_299, %swap3A_300, %swap3A_301] {strides = array<i32>} : memref<2x128x128xf32, #tpu.memory_space<vmem>>, vector<1x1x16xf32>,
        %swap3A_303 = vector.shape_cast %swap3A_302 : vector<1x1x16xf32> to vector<16xf32>
        %swap3A_304 = vector.shape_cast %select_n3A_293 : vector<16xf32> to vector<1x1x16xf32>
        tpu.vector_store %arg5[%swap3A_299, %swap3A_300, %swap3A_301], %swap3A_304 {strides = array<i32>} : memref<2x128x128xf32, #tpu.memory_space<vmem>>, vector<1x1x16xf32>,
        %mul3A_305 = arith.constant 128 : i32
        %mul3A_306 = arith.muli %scan3A_169, %mul3A_305 : i32
        %add3A_307 = arith.constant 32 : i32
        %add3A_308 = arith.addi %mul3A_306, %add3A_307 : i32
        %get3A_309 = arith.constant 1 : i32
        %get3A_310 = arith.index_cast %get3A_309 : i32 to index
        %get3A_311 = arith.index_cast %add3A_308 : i32 to index
        %get3A_312 = tpu.vector_load %arg4[%get3A_310, %get3A_311] {strides = array<i32>} : memref<2x4096xi32, #tpu.memory_space<vmem>>, vector<1x16xi32>,
        %get3A_313 = vector.shape_cast %get3A_312 : vector<1x16xi32> to vector<16xi32>
        %eq3A_314 = arith.constant 0 : i32
        %eq3A_315 = vector.broadcast %eq3A_314 : i32 to vector<16xi32>
        %eq3A_316 = arith.cmpi eq, %get3A_313, %eq3A_315 : vector<16xi32>
        %select_n3A_317 = arith.select %eq3A_316, %broadcast_in_dim3A_1, %broadcast_in_dim3A_3 : vector<16xi1>, vector<16xf32>
        %mul3A_318 = arith.constant 4 : i32
        %mul3A_319 = arith.muli %mul3A_318, %scan3A_169 : i32
        %add3A_320 = arith.constant 0 : i32
        %add3A_321 = arith.addi %mul3A_319, %add3A_320 : i32
        %swap3A_322 = arith.constant 1 : i32
        %swap3A_323 = arith.index_cast %swap3A_322 : i32 to index
        %swap3A_324 = arith.index_cast %add3A_321 : i32 to index
        %swap3A_325 = arith.constant 32 : index
        %swap3A_326 = tpu.vector_load %arg5[%swap3A_323, %swap3A_324, %swap3A_325] {strides = array<i32>} : memref<2x128x128xf32, #tpu.memory_space<vmem>>, vector<1x1x16xf32>,
        %swap3A_327 = vector.shape_cast %swap3A_326 : vector<1x1x16xf32> to vector<16xf32>
        %swap3A_328 = vector.shape_cast %select_n3A_317 : vector<16xf32> to vector<1x1x16xf32>
        tpu.vector_store %arg5[%swap3A_323, %swap3A_324, %swap3A_325], %swap3A_328 {strides = array<i32>} : memref<2x128x128xf32, #tpu.memory_space<vmem>>, vector<1x1x16xf32>,
        %eq3A_329 = arith.constant 1 : i32
        %eq3A_330 = vector.broadcast %eq3A_329 : i32 to vector<16xi32>
        %eq3A_331 = arith.cmpi eq, %get3A_313, %eq3A_330 : vector<16xi32>
        %select_n3A_332 = arith.select %eq3A_331, %broadcast_in_dim3A_1, %broadcast_in_dim3A_3 : vector<16xi1>, vector<16xf32>
        %mul3A_333 = arith.constant 4 : i32
        %mul3A_334 = arith.muli %mul3A_333, %scan3A_169 : i32
        %add3A_335 = arith.constant 1 : i32
        %add3A_336 = arith.addi %mul3A_334, %add3A_335 : i32
        %swap3A_337 = arith.constant 1 : i32
        %swap3A_338 = arith.index_cast %swap3A_337 : i32 to index
        %swap3A_339 = arith.index_cast %add3A_336 : i32 to index
        %swap3A_340 = arith.constant 32 : index
        %swap3A_341 = tpu.vector_load %arg5[%swap3A_338, %swap3A_339, %swap3A_340] {strides = array<i32>} : memref<2x128x128xf32, #tpu.memory_space<vmem>>, vector<1x1x16xf32>,
        %swap3A_342 = vector.shape_cast %swap3A_341 : vector<1x1x16xf32> to vector<16xf32>
        %swap3A_343 = vector.shape_cast %select_n3A_332 : vector<16xf32> to vector<1x1x16xf32>
        tpu.vector_store %arg5[%swap3A_338, %swap3A_339, %swap3A_340], %swap3A_343 {strides = array<i32>} : memref<2x128x128xf32, #tpu.memory_space<vmem>>, vector<1x1x16xf32>,
        %eq3A_344 = arith.constant 2 : i32
        %eq3A_345 = vector.broadcast %eq3A_344 : i32 to vector<16xi32>
        %eq3A_346 = arith.cmpi eq, %get3A_313, %eq3A_345 : vector<16xi32>
        %select_n3A_347 = arith.select %eq3A_346, %broadcast_in_dim3A_1, %broadcast_in_dim3A_3 : vector<16xi1>, vector<16xf32>
        %mul3A_348 = arith.constant 4 : i32
        %mul3A_349 = arith.muli %mul3A_348, %scan3A_169 : i32
        %add3A_350 = arith.constant 2 : i32
        %add3A_351 = arith.addi %mul3A_349, %add3A_350 : i32
        %swap3A_352 = arith.constant 1 : i32
        %swap3A_353 = arith.index_cast %swap3A_352 : i32 to index
        %swap3A_354 = arith.index_cast %add3A_351 : i32 to index
        %swap3A_355 = arith.constant 32 : index
        %swap3A_356 = tpu.vector_load %arg5[%swap3A_353, %swap3A_354, %swap3A_355] {strides = array<i32>} : memref<2x128x128xf32, #tpu.memory_space<vmem>>, vector<1x1x16xf32>,
        %swap3A_357 = vector.shape_cast %swap3A_356 : vector<1x1x16xf32> to vector<16xf32>
        %swap3A_358 = vector.shape_cast %select_n3A_347 : vector<16xf32> to vector<1x1x16xf32>
        tpu.vector_store %arg5[%swap3A_353, %swap3A_354, %swap3A_355], %swap3A_358 {strides = array<i32>} : memref<2x128x128xf32, #tpu.memory_space<vmem>>, vector<1x1x16xf32>,
        %eq3A_359 = arith.constant 3 : i32
        %eq3A_360 = vector.broadcast %eq3A_359 : i32 to vector<16xi32>
        %eq3A_361 = arith.cmpi eq, %get3A_313, %eq3A_360 : vector<16xi32>
        %select_n3A_362 = arith.select %eq3A_361, %broadcast_in_dim3A_1, %broadcast_in_dim3A_3 : vector<16xi1>, vector<16xf32>
        %mul3A_363 = arith.constant 4 : i32
        %mul3A_364 = arith.muli %mul3A_363, %scan3A_169 : i32
        %add3A_365 = arith.constant 3 : i32
        %add3A_366 = arith.addi %mul3A_364, %add3A_365 : i32
        %swap3A_367 = arith.constant 1 : i32
        %swap3A_368 = arith.index_cast %swap3A_367 : i32 to index
        %swap3A_369 = arith.index_cast %add3A_366 : i32 to index
        %swap3A_370 = arith.constant 32 : index
        %swap3A_371 = tpu.vector_load %arg5[%swap3A_368, %swap3A_369, %swap3A_370] {strides = array<i32>} : memref<2x128x128xf32, #tpu.memory_space<vmem>>, vector<1x1x16xf32>,
        %swap3A_372 = vector.shape_cast %swap3A_371 : vector<1x1x16xf32> to vector<16xf32>
        %swap3A_373 = vector.shape_cast %select_n3A_362 : vector<16xf32> to vector<1x1x16xf32>
        tpu.vector_store %arg5[%swap3A_368, %swap3A_369, %swap3A_370], %swap3A_373 {strides = array<i32>} : memref<2x128x128xf32, #tpu.memory_space<vmem>>, vector<1x1x16xf32>,
        %mul3A_374 = arith.constant 128 : i32
        %mul3A_375 = arith.muli %scan3A_169, %mul3A_374 : i32
        %add3A_376 = arith.constant 48 : i32
        %add3A_377 = arith.addi %mul3A_375, %add3A_376 : i32
        %get3A_378 = arith.constant 1 : i32
        %get3A_379 = arith.index_cast %get3A_378 : i32 to index
        %get3A_380 = arith.index_cast %add3A_377 : i32 to index
        %get3A_381 = tpu.vector_load %arg4[%get3A_379, %get3A_380] {strides = array<i32>} : memref<2x4096xi32, #tpu.memory_space<vmem>>, vector<1x16xi32>,
        %get3A_382 = vector.shape_cast %get3A_381 : vector<1x16xi32> to vector<16xi32>
        %eq3A_383 = arith.constant 0 : i32
        %eq3A_384 = vector.broadcast %eq3A_383 : i32 to vector<16xi32>
        %eq3A_385 = arith.cmpi eq, %get3A_382, %eq3A_384 : vector<16xi32>
        %select_n3A_386 = arith.select %eq3A_385, %broadcast_in_dim3A_1, %broadcast_in_dim3A_3 : vector<16xi1>, vector<16xf32>
        %mul3A_387 = arith.constant 4 : i32
        %mul3A_388 = arith.muli %mul3A_387, %scan3A_169 : i32
        %add3A_389 = arith.constant 0 : i32
        %add3A_390 = arith.addi %mul3A_388, %add3A_389 : i32
        %swap3A_391 = arith.constant 1 : i32
        %swap3A_392 = arith.index_cast %swap3A_391 : i32 to index
        %swap3A_393 = arith.index_cast %add3A_390 : i32 to index
        %swap3A_394 = arith.constant 48 : index
        %swap3A_395 = tpu.vector_load %arg5[%swap3A_392, %swap3A_393, %swap3A_394] {strides = array<i32>} : memref<2x128x128xf32, #tpu.memory_space<vmem>>, vector<1x1x16xf32>,
        %swap3A_396 = vector.shape_cast %swap3A_395 : vector<1x1x16xf32> to vector<16xf32>
        %swap3A_397 = vector.shape_cast %select_n3A_386 : vector<16xf32> to vector<1x1x16xf32>
        tpu.vector_store %arg5[%swap3A_392, %swap3A_393, %swap3A_394], %swap3A_397 {strides = array<i32>} : memref<2x128x128xf32, #tpu.memory_space<vmem>>, vector<1x1x16xf32>,
        %eq3A_398 = arith.constant 1 : i32
        %eq3A_399 = vector.broadcast %eq3A_398 : i32 to vector<16xi32>
        %eq3A_400 = arith.cmpi eq, %get3A_382, %eq3A_399 : vector<16xi32>
        %select_n3A_401 = arith.select %eq3A_400, %broadcast_in_dim3A_1, %broadcast_in_dim3A_3 : vector<16xi1>, vector<16xf32>
        %mul3A_402 = arith.constant 4 : i32
        %mul3A_403 = arith.muli %mul3A_402, %scan3A_169 : i32
        %add3A_404 = arith.constant 1 : i32
        %add3A_405 = arith.addi %mul3A_403, %add3A_404 : i32
        %swap3A_406 = arith.constant 1 : i32
        %swap3A_407 = arith.index_cast %swap3A_406 : i32 to index
        %swap3A_408 = arith.index_cast %add3A_405 : i32 to index
        %swap3A_409 = arith.constant 48 : index
        %swap3A_410 = tpu.vector_load %arg5[%swap3A_407, %swap3A_408, %swap3A_409] {strides = array<i32>} : memref<2x128x128xf32, #tpu.memory_space<vmem>>, vector<1x1x16xf32>,
        %swap3A_411 = vector.shape_cast %swap3A_410 : vector<1x1x16xf32> to vector<16xf32>
        %swap3A_412 = vector.shape_cast %select_n3A_401 : vector<16xf32> to vector<1x1x16xf32>
        tpu.vector_store %arg5[%swap3A_407, %swap3A_408, %swap3A_409], %swap3A_412 {strides = array<i32>} : memref<2x128x128xf32, #tpu.memory_space<vmem>>, vector<1x1x16xf32>,
        %eq3A_413 = arith.constant 2 : i32
        %eq3A_414 = vector.broadcast %eq3A_413 : i32 to vector<16xi32>
        %eq3A_415 = arith.cmpi eq, %get3A_382, %eq3A_414 : vector<16xi32>
        %select_n3A_416 = arith.select %eq3A_415, %broadcast_in_dim3A_1, %broadcast_in_dim3A_3 : vector<16xi1>, vector<16xf32>
        %mul3A_417 = arith.constant 4 : i32
        %mul3A_418 = arith.muli %mul3A_417, %scan3A_169 : i32
        %add3A_419 = arith.constant 2 : i32
        %add3A_420 = arith.addi %mul3A_418, %add3A_419 : i32
        %swap3A_421 = arith.constant 1 : i32
        %swap3A_422 = arith.index_cast %swap3A_421 : i32 to index
        %swap3A_423 = arith.index_cast %add3A_420 : i32 to index
        %swap3A_424 = arith.constant 48 : index
        %swap3A_425 = tpu.vector_load %arg5[%swap3A_422, %swap3A_423, %swap3A_424] {strides = array<i32>} : memref<2x128x128xf32, #tpu.memory_space<vmem>>, vector<1x1x16xf32>,
        %swap3A_426 = vector.shape_cast %swap3A_425 : vector<1x1x16xf32> to vector<16xf32>
        %swap3A_427 = vector.shape_cast %select_n3A_416 : vector<16xf32> to vector<1x1x16xf32>
        tpu.vector_store %arg5[%swap3A_422, %swap3A_423, %swap3A_424], %swap3A_427 {strides = array<i32>} : memref<2x128x128xf32, #tpu.memory_space<vmem>>, vector<1x1x16xf32>,
        %eq3A_428 = arith.constant 3 : i32
        %eq3A_429 = vector.broadcast %eq3A_428 : i32 to vector<16xi32>
        %eq3A_430 = arith.cmpi eq, %get3A_382, %eq3A_429 : vector<16xi32>
        %select_n3A_431 = arith.select %eq3A_430, %broadcast_in_dim3A_1, %broadcast_in_dim3A_3 : vector<16xi1>, vector<16xf32>
        %mul3A_432 = arith.constant 4 : i32
        %mul3A_433 = arith.muli %mul3A_432, %scan3A_169 : i32
        %add3A_434 = arith.constant 3 : i32
        %add3A_435 = arith.addi %mul3A_433, %add3A_434 : i32
        %swap3A_436 = arith.constant 1 : i32
        %swap3A_437 = arith.index_cast %swap3A_436 : i32 to index
        %swap3A_438 = arith.index_cast %add3A_435 : i32 to index
        %swap3A_439 = arith.constant 48 : index
        %swap3A_440 = tpu.vector_load %arg5[%swap3A_437, %swap3A_438, %swap3A_439] {strides = array<i32>} : memref<2x128x128xf32, #tpu.memory_space<vmem>>, vector<1x1x16xf32>,
        %swap3A_441 = vector.shape_cast %swap3A_440 : vector<1x1x16xf32> to vector<16xf32>
        %swap3A_442 = vector.shape_cast %select_n3A_431 : vector<16xf32> to vector<1x1x16xf32>
        tpu.vector_store %arg5[%swap3A_437, %swap3A_438, %swap3A_439], %swap3A_442 {strides = array<i32>} : memref<2x128x128xf32, #tpu.memory_space<vmem>>, vector<1x1x16xf32>,
        %mul3A_443 = arith.constant 128 : i32
        %mul3A_444 = arith.muli %scan3A_169, %mul3A_443 : i32
        %add3A_445 = arith.constant 64 : i32
        %add3A_446 = arith.addi %mul3A_444, %add3A_445 : i32
        %get3A_447 = arith.constant 1 : i32
        %get3A_448 = arith.index_cast %get3A_447 : i32 to index
        %get3A_449 = arith.index_cast %add3A_446 : i32 to index
        %get3A_450 = tpu.vector_load %arg4[%get3A_448, %get3A_449] {strides = array<i32>} : memref<2x4096xi32, #tpu.memory_space<vmem>>, vector<1x16xi32>,
        %get3A_451 = vector.shape_cast %get3A_450 : vector<1x16xi32> to vector<16xi32>
        %eq3A_452 = arith.constant 0 : i32
        %eq3A_453 = vector.broadcast %eq3A_452 : i32 to vector<16xi32>
        %eq3A_454 = arith.cmpi eq, %get3A_451, %eq3A_453 : vector<16xi32>
        %select_n3A_455 = arith.select %eq3A_454, %broadcast_in_dim3A_1, %broadcast_in_dim3A_3 : vector<16xi1>, vector<16xf32>
        %mul3A_456 = arith.constant 4 : i32
        %mul3A_457 = arith.muli %mul3A_456, %scan3A_169 : i32
        %add3A_458 = arith.constant 0 : i32
        %add3A_459 = arith.addi %mul3A_457, %add3A_458 : i32
        %swap3A_460 = arith.constant 1 : i32
        %swap3A_461 = arith.index_cast %swap3A_460 : i32 to index
        %swap3A_462 = arith.index_cast %add3A_459 : i32 to index
        %swap3A_463 = arith.constant 64 : index
        %swap3A_464 = tpu.vector_load %arg5[%swap3A_461, %swap3A_462, %swap3A_463] {strides = array<i32>} : memref<2x128x128xf32, #tpu.memory_space<vmem>>, vector<1x1x16xf32>,
        %swap3A_465 = vector.shape_cast %swap3A_464 : vector<1x1x16xf32> to vector<16xf32>
        %swap3A_466 = vector.shape_cast %select_n3A_455 : vector<16xf32> to vector<1x1x16xf32>
        tpu.vector_store %arg5[%swap3A_461, %swap3A_462, %swap3A_463], %swap3A_466 {strides = array<i32>} : memref<2x128x128xf32, #tpu.memory_space<vmem>>, vector<1x1x16xf32>,
        %eq3A_467 = arith.constant 1 : i32
        %eq3A_468 = vector.broadcast %eq3A_467 : i32 to vector<16xi32>
        %eq3A_469 = arith.cmpi eq, %get3A_451, %eq3A_468 : vector<16xi32>
        %select_n3A_470 = arith.select %eq3A_469, %broadcast_in_dim3A_1, %broadcast_in_dim3A_3 : vector<16xi1>, vector<16xf32>
        %mul3A_471 = arith.constant 4 : i32
        %mul3A_472 = arith.muli %mul3A_471, %scan3A_169 : i32
        %add3A_473 = arith.constant 1 : i32
        %add3A_474 = arith.addi %mul3A_472, %add3A_473 : i32
        %swap3A_475 = arith.constant 1 : i32
        %swap3A_476 = arith.index_cast %swap3A_475 : i32 to index
        %swap3A_477 = arith.index_cast %add3A_474 : i32 to index
        %swap3A_478 = arith.constant 64 : index
        %swap3A_479 = tpu.vector_load %arg5[%swap3A_476, %swap3A_477, %swap3A_478] {strides = array<i32>} : memref<2x128x128xf32, #tpu.memory_space<vmem>>, vector<1x1x16xf32>,
        %swap3A_480 = vector.shape_cast %swap3A_479 : vector<1x1x16xf32> to vector<16xf32>
        %swap3A_481 = vector.shape_cast %select_n3A_470 : vector<16xf32> to vector<1x1x16xf32>
        tpu.vector_store %arg5[%swap3A_476, %swap3A_477, %swap3A_478], %swap3A_481 {strides = array<i32>} : memref<2x128x128xf32, #tpu.memory_space<vmem>>, vector<1x1x16xf32>,
        %eq3A_482 = arith.constant 2 : i32
        %eq3A_483 = vector.broadcast %eq3A_482 : i32 to vector<16xi32>
        %eq3A_484 = arith.cmpi eq, %get3A_451, %eq3A_483 : vector<16xi32>
        %select_n3A_485 = arith.select %eq3A_484, %broadcast_in_dim3A_1, %broadcast_in_dim3A_3 : vector<16xi1>, vector<16xf32>
        %mul3A_486 = arith.constant 4 : i32
        %mul3A_487 = arith.muli %mul3A_486, %scan3A_169 : i32
        %add3A_488 = arith.constant 2 : i32
        %add3A_489 = arith.addi %mul3A_487, %add3A_488 : i32
        %swap3A_490 = arith.constant 1 : i32
        %swap3A_491 = arith.index_cast %swap3A_490 : i32 to index
        %swap3A_492 = arith.index_cast %add3A_489 : i32 to index
        %swap3A_493 = arith.constant 64 : index
        %swap3A_494 = tpu.vector_load %arg5[%swap3A_491, %swap3A_492, %swap3A_493] {strides = array<i32>} : memref<2x128x128xf32, #tpu.memory_space<vmem>>, vector<1x1x16xf32>,
        %swap3A_495 = vector.shape_cast %swap3A_494 : vector<1x1x16xf32> to vector<16xf32>
        %swap3A_496 = vector.shape_cast %select_n3A_485 : vector<16xf32> to vector<1x1x16xf32>
        tpu.vector_store %arg5[%swap3A_491, %swap3A_492, %swap3A_493], %swap3A_496 {strides = array<i32>} : memref<2x128x128xf32, #tpu.memory_space<vmem>>, vector<1x1x16xf32>,
        %eq3A_497 = arith.constant 3 : i32
        %eq3A_498 = vector.broadcast %eq3A_497 : i32 to vector<16xi32>
        %eq3A_499 = arith.cmpi eq, %get3A_451, %eq3A_498 : vector<16xi32>
        %select_n3A_500 = arith.select %eq3A_499, %broadcast_in_dim3A_1, %broadcast_in_dim3A_3 : vector<16xi1>, vector<16xf32>
        %mul3A_501 = arith.constant 4 : i32
        %mul3A_502 = arith.muli %mul3A_501, %scan3A_169 : i32
        %add3A_503 = arith.constant 3 : i32
        %add3A_504 = arith.addi %mul3A_502, %add3A_503 : i32
        %swap3A_505 = arith.constant 1 : i32
        %swap3A_506 = arith.index_cast %swap3A_505 : i32 to index
        %swap3A_507 = arith.index_cast %add3A_504 : i32 to index
        %swap3A_508 = arith.constant 64 : index
        %swap3A_509 = tpu.vector_load %arg5[%swap3A_506, %swap3A_507, %swap3A_508] {strides = array<i32>} : memref<2x128x128xf32, #tpu.memory_space<vmem>>, vector<1x1x16xf32>,
        %swap3A_510 = vector.shape_cast %swap3A_509 : vector<1x1x16xf32> to vector<16xf32>
        %swap3A_511 = vector.shape_cast %select_n3A_500 : vector<16xf32> to vector<1x1x16xf32>
        tpu.vector_store %arg5[%swap3A_506, %swap3A_507, %swap3A_508], %swap3A_511 {strides = array<i32>} : memref<2x128x128xf32, #tpu.memory_space<vmem>>, vector<1x1x16xf32>,
        %mul3A_512 = arith.constant 128 : i32
        %mul3A_513 = arith.muli %scan3A_169, %mul3A_512 : i32
        %add3A_514 = arith.constant 80 : i32
        %add3A_515 = arith.addi %mul3A_513, %add3A_514 : i32
        %get3A_516 = arith.constant 1 : i32
        %get3A_517 = arith.index_cast %get3A_516 : i32 to index
        %get3A_518 = arith.index_cast %add3A_515 : i32 to index
        %get3A_519 = tpu.vector_load %arg4[%get3A_517, %get3A_518] {strides = array<i32>} : memref<2x4096xi32, #tpu.memory_space<vmem>>, vector<1x16xi32>,
        %get3A_520 = vector.shape_cast %get3A_519 : vector<1x16xi32> to vector<16xi32>
        %eq3A_521 = arith.constant 0 : i32
        %eq3A_522 = vector.broadcast %eq3A_521 : i32 to vector<16xi32>
        %eq3A_523 = arith.cmpi eq, %get3A_520, %eq3A_522 : vector<16xi32>
        %select_n3A_524 = arith.select %eq3A_523, %broadcast_in_dim3A_1, %broadcast_in_dim3A_3 : vector<16xi1>, vector<16xf32>
        %mul3A_525 = arith.constant 4 : i32
        %mul3A_526 = arith.muli %mul3A_525, %scan3A_169 : i32
        %add3A_527 = arith.constant 0 : i32
        %add3A_528 = arith.addi %mul3A_526, %add3A_527 : i32
        %swap3A_529 = arith.constant 1 : i32
        %swap3A_530 = arith.index_cast %swap3A_529 : i32 to index
        %swap3A_531 = arith.index_cast %add3A_528 : i32 to index
        %swap3A_532 = arith.constant 80 : index
        %swap3A_533 = tpu.vector_load %arg5[%swap3A_530, %swap3A_531, %swap3A_532] {strides = array<i32>} : memref<2x128x128xf32, #tpu.memory_space<vmem>>, vector<1x1x16xf32>,
        %swap3A_534 = vector.shape_cast %swap3A_533 : vector<1x1x16xf32> to vector<16xf32>
        %swap3A_535 = vector.shape_cast %select_n3A_524 : vector<16xf32> to vector<1x1x16xf32>
        tpu.vector_store %arg5[%swap3A_530, %swap3A_531, %swap3A_532], %swap3A_535 {strides = array<i32>} : memref<2x128x128xf32, #tpu.memory_space<vmem>>, vector<1x1x16xf32>,
        %eq3A_536 = arith.constant 1 : i32
        %eq3A_537 = vector.broadcast %eq3A_536 : i32 to vector<16xi32>
        %eq3A_538 = arith.cmpi eq, %get3A_520, %eq3A_537 : vector<16xi32>
        %select_n3A_539 = arith.select %eq3A_538, %broadcast_in_dim3A_1, %broadcast_in_dim3A_3 : vector<16xi1>, vector<16xf32>
        %mul3A_540 = arith.constant 4 : i32
        %mul3A_541 = arith.muli %mul3A_540, %scan3A_169 : i32
        %add3A_542 = arith.constant 1 : i32
        %add3A_543 = arith.addi %mul3A_541, %add3A_542 : i32
        %swap3A_544 = arith.constant 1 : i32
        %swap3A_545 = arith.index_cast %swap3A_544 : i32 to index
        %swap3A_546 = arith.index_cast %add3A_543 : i32 to index
        %swap3A_547 = arith.constant 80 : index
        %swap3A_548 = tpu.vector_load %arg5[%swap3A_545, %swap3A_546, %swap3A_547] {strides = array<i32>} : memref<2x128x128xf32, #tpu.memory_space<vmem>>, vector<1x1x16xf32>,
        %swap3A_549 = vector.shape_cast %swap3A_548 : vector<1x1x16xf32> to vector<16xf32>
        %swap3A_550 = vector.shape_cast %select_n3A_539 : vector<16xf32> to vector<1x1x16xf32>
        tpu.vector_store %arg5[%swap3A_545, %swap3A_546, %swap3A_547], %swap3A_550 {strides = array<i32>} : memref<2x128x128xf32, #tpu.memory_space<vmem>>, vector<1x1x16xf32>,
        %eq3A_551 = arith.constant 2 : i32
        %eq3A_552 = vector.broadcast %eq3A_551 : i32 to vector<16xi32>
        %eq3A_553 = arith.cmpi eq, %get3A_520, %eq3A_552 : vector<16xi32>
        %select_n3A_554 = arith.select %eq3A_553, %broadcast_in_dim3A_1, %broadcast_in_dim3A_3 : vector<16xi1>, vector<16xf32>
        %mul3A_555 = arith.constant 4 : i32
        %mul3A_556 = arith.muli %mul3A_555, %scan3A_169 : i32
        %add3A_557 = arith.constant 2 : i32
        %add3A_558 = arith.addi %mul3A_556, %add3A_557 : i32
        %swap3A_559 = arith.constant 1 : i32
        %swap3A_560 = arith.index_cast %swap3A_559 : i32 to index
        %swap3A_561 = arith.index_cast %add3A_558 : i32 to index
        %swap3A_562 = arith.constant 80 : index
        %swap3A_563 = tpu.vector_load %arg5[%swap3A_560, %swap3A_561, %swap3A_562] {strides = array<i32>} : memref<2x128x128xf32, #tpu.memory_space<vmem>>, vector<1x1x16xf32>,
        %swap3A_564 = vector.shape_cast %swap3A_563 : vector<1x1x16xf32> to vector<16xf32>
        %swap3A_565 = vector.shape_cast %select_n3A_554 : vector<16xf32> to vector<1x1x16xf32>
        tpu.vector_store %arg5[%swap3A_560, %swap3A_561, %swap3A_562], %swap3A_565 {strides = array<i32>} : memref<2x128x128xf32, #tpu.memory_space<vmem>>, vector<1x1x16xf32>,
        %eq3A_566 = arith.constant 3 : i32
        %eq3A_567 = vector.broadcast %eq3A_566 : i32 to vector<16xi32>
        %eq3A_568 = arith.cmpi eq, %get3A_520, %eq3A_567 : vector<16xi32>
        %select_n3A_569 = arith.select %eq3A_568, %broadcast_in_dim3A_1, %broadcast_in_dim3A_3 : vector<16xi1>, vector<16xf32>
        %mul3A_570 = arith.constant 4 : i32
        %mul3A_571 = arith.muli %mul3A_570, %scan3A_169 : i32
        %add3A_572 = arith.constant 3 : i32
        %add3A_573 = arith.addi %mul3A_571, %add3A_572 : i32
        %swap3A_574 = arith.constant 1 : i32
        %swap3A_575 = arith.index_cast %swap3A_574 : i32 to index
        %swap3A_576 = arith.index_cast %add3A_573 : i32 to index
        %swap3A_577 = arith.constant 80 : index
        %swap3A_578 = tpu.vector_load %arg5[%swap3A_575, %swap3A_576, %swap3A_577] {strides = array<i32>} : memref<2x128x128xf32, #tpu.memory_space<vmem>>, vector<1x1x16xf32>,
        %swap3A_579 = vector.shape_cast %swap3A_578 : vector<1x1x16xf32> to vector<16xf32>
        %swap3A_580 = vector.shape_cast %select_n3A_569 : vector<16xf32> to vector<1x1x16xf32>
        tpu.vector_store %arg5[%swap3A_575, %swap3A_576, %swap3A_577], %swap3A_580 {strides = array<i32>} : memref<2x128x128xf32, #tpu.memory_space<vmem>>, vector<1x1x16xf32>,
        %mul3A_581 = arith.constant 128 : i32
        %mul3A_582 = arith.muli %scan3A_169, %mul3A_581 : i32
        %add3A_583 = arith.constant 96 : i32
        %add3A_584 = arith.addi %mul3A_582, %add3A_583 : i32
        %get3A_585 = arith.constant 1 : i32
        %get3A_586 = arith.index_cast %get3A_585 : i32 to index
        %get3A_587 = arith.index_cast %add3A_584 : i32 to index
        %get3A_588 = tpu.vector_load %arg4[%get3A_586, %get3A_587] {strides = array<i32>} : memref<2x4096xi32, #tpu.memory_space<vmem>>, vector<1x16xi32>,
        %get3A_589 = vector.shape_cast %get3A_588 : vector<1x16xi32> to vector<16xi32>
        %eq3A_590 = arith.constant 0 : i32
        %eq3A_591 = vector.broadcast %eq3A_590 : i32 to vector<16xi32>
        %eq3A_592 = arith.cmpi eq, %get3A_589, %eq3A_591 : vector<16xi32>
        %select_n3A_593 = arith.select %eq3A_592, %broadcast_in_dim3A_1, %broadcast_in_dim3A_3 : vector<16xi1>, vector<16xf32>
        %mul3A_594 = arith.constant 4 : i32
        %mul3A_595 = arith.muli %mul3A_594, %scan3A_169 : i32
        %add3A_596 = arith.constant 0 : i32
        %add3A_597 = arith.addi %mul3A_595, %add3A_596 : i32
        %swap3A_598 = arith.constant 1 : i32
        %swap3A_599 = arith.index_cast %swap3A_598 : i32 to index
        %swap3A_600 = arith.index_cast %add3A_597 : i32 to index
        %swap3A_601 = arith.constant 96 : index
        %swap3A_602 = tpu.vector_load %arg5[%swap3A_599, %swap3A_600, %swap3A_601] {strides = array<i32>} : memref<2x128x128xf32, #tpu.memory_space<vmem>>, vector<1x1x16xf32>,
        %swap3A_603 = vector.shape_cast %swap3A_602 : vector<1x1x16xf32> to vector<16xf32>
        %swap3A_604 = vector.shape_cast %select_n3A_593 : vector<16xf32> to vector<1x1x16xf32>
        tpu.vector_store %arg5[%swap3A_599, %swap3A_600, %swap3A_601], %swap3A_604 {strides = array<i32>} : memref<2x128x128xf32, #tpu.memory_space<vmem>>, vector<1x1x16xf32>,
        %eq3A_605 = arith.constant 1 : i32
        %eq3A_606 = vector.broadcast %eq3A_605 : i32 to vector<16xi32>
        %eq3A_607 = arith.cmpi eq, %get3A_589, %eq3A_606 : vector<16xi32>
        %select_n3A_608 = arith.select %eq3A_607, %broadcast_in_dim3A_1, %broadcast_in_dim3A_3 : vector<16xi1>, vector<16xf32>
        %mul3A_609 = arith.constant 4 : i32
        %mul3A_610 = arith.muli %mul3A_609, %scan3A_169 : i32
        %add3A_611 = arith.constant 1 : i32
        %add3A_612 = arith.addi %mul3A_610, %add3A_611 : i32
        %swap3A_613 = arith.constant 1 : i32
        %swap3A_614 = arith.index_cast %swap3A_613 : i32 to index
        %swap3A_615 = arith.index_cast %add3A_612 : i32 to index
        %swap3A_616 = arith.constant 96 : index
        %swap3A_617 = tpu.vector_load %arg5[%swap3A_614, %swap3A_615, %swap3A_616] {strides = array<i32>} : memref<2x128x128xf32, #tpu.memory_space<vmem>>, vector<1x1x16xf32>,
        %swap3A_618 = vector.shape_cast %swap3A_617 : vector<1x1x16xf32> to vector<16xf32>
        %swap3A_619 = vector.shape_cast %select_n3A_608 : vector<16xf32> to vector<1x1x16xf32>
        tpu.vector_store %arg5[%swap3A_614, %swap3A_615, %swap3A_616], %swap3A_619 {strides = array<i32>} : memref<2x128x128xf32, #tpu.memory_space<vmem>>, vector<1x1x16xf32>,
        %eq3A_620 = arith.constant 2 : i32
        %eq3A_621 = vector.broadcast %eq3A_620 : i32 to vector<16xi32>
        %eq3A_622 = arith.cmpi eq, %get3A_589, %eq3A_621 : vector<16xi32>
        %select_n3A_623 = arith.select %eq3A_622, %broadcast_in_dim3A_1, %broadcast_in_dim3A_3 : vector<16xi1>, vector<16xf32>
        %mul3A_624 = arith.constant 4 : i32
        %mul3A_625 = arith.muli %mul3A_624, %scan3A_169 : i32
        %add3A_626 = arith.constant 2 : i32
        %add3A_627 = arith.addi %mul3A_625, %add3A_626 : i32
        %swap3A_628 = arith.constant 1 : i32
        %swap3A_629 = arith.index_cast %swap3A_628 : i32 to index
        %swap3A_630 = arith.index_cast %add3A_627 : i32 to index
        %swap3A_631 = arith.constant 96 : index
        %swap3A_632 = tpu.vector_load %arg5[%swap3A_629, %swap3A_630, %swap3A_631] {strides = array<i32>} : memref<2x128x128xf32, #tpu.memory_space<vmem>>, vector<1x1x16xf32>,
        %swap3A_633 = vector.shape_cast %swap3A_632 : vector<1x1x16xf32> to vector<16xf32>
        %swap3A_634 = vector.shape_cast %select_n3A_623 : vector<16xf32> to vector<1x1x16xf32>
        tpu.vector_store %arg5[%swap3A_629, %swap3A_630, %swap3A_631], %swap3A_634 {strides = array<i32>} : memref<2x128x128xf32, #tpu.memory_space<vmem>>, vector<1x1x16xf32>,
        %eq3A_635 = arith.constant 3 : i32
        %eq3A_636 = vector.broadcast %eq3A_635 : i32 to vector<16xi32>
        %eq3A_637 = arith.cmpi eq, %get3A_589, %eq3A_636 : vector<16xi32>
        %select_n3A_638 = arith.select %eq3A_637, %broadcast_in_dim3A_1, %broadcast_in_dim3A_3 : vector<16xi1>, vector<16xf32>
        %mul3A_639 = arith.constant 4 : i32
        %mul3A_640 = arith.muli %mul3A_639, %scan3A_169 : i32
        %add3A_641 = arith.constant 3 : i32
        %add3A_642 = arith.addi %mul3A_640, %add3A_641 : i32
        %swap3A_643 = arith.constant 1 : i32
        %swap3A_644 = arith.index_cast %swap3A_643 : i32 to index
        %swap3A_645 = arith.index_cast %add3A_642 : i32 to index
        %swap3A_646 = arith.constant 96 : index
        %swap3A_647 = tpu.vector_load %arg5[%swap3A_644, %swap3A_645, %swap3A_646] {strides = array<i32>} : memref<2x128x128xf32, #tpu.memory_space<vmem>>, vector<1x1x16xf32>,
        %swap3A_648 = vector.shape_cast %swap3A_647 : vector<1x1x16xf32> to vector<16xf32>
        %swap3A_649 = vector.shape_cast %select_n3A_638 : vector<16xf32> to vector<1x1x16xf32>
        tpu.vector_store %arg5[%swap3A_644, %swap3A_645, %swap3A_646], %swap3A_649 {strides = array<i32>} : memref<2x128x128xf32, #tpu.memory_space<vmem>>, vector<1x1x16xf32>,
        %mul3A_650 = arith.constant 128 : i32
        %mul3A_651 = arith.muli %scan3A_169, %mul3A_650 : i32
        %add3A_652 = arith.constant 112 : i32
        %add3A_653 = arith.addi %mul3A_651, %add3A_652 : i32
        %get3A_654 = arith.constant 1 : i32
        %get3A_655 = arith.index_cast %get3A_654 : i32 to index
        %get3A_656 = arith.index_cast %add3A_653 : i32 to index
        %get3A_657 = tpu.vector_load %arg4[%get3A_655, %get3A_656] {strides = array<i32>} : memref<2x4096xi32, #tpu.memory_space<vmem>>, vector<1x16xi32>,
        %get3A_658 = vector.shape_cast %get3A_657 : vector<1x16xi32> to vector<16xi32>
        %eq3A_659 = arith.constant 0 : i32
        %eq3A_660 = vector.broadcast %eq3A_659 : i32 to vector<16xi32>
        %eq3A_661 = arith.cmpi eq, %get3A_658, %eq3A_660 : vector<16xi32>
        %select_n3A_662 = arith.select %eq3A_661, %broadcast_in_dim3A_1, %broadcast_in_dim3A_3 : vector<16xi1>, vector<16xf32>
        %mul3A_663 = arith.constant 4 : i32
        %mul3A_664 = arith.muli %mul3A_663, %scan3A_169 : i32
        %add3A_665 = arith.constant 0 : i32
        %add3A_666 = arith.addi %mul3A_664, %add3A_665 : i32
        %swap3A_667 = arith.constant 1 : i32
        %swap3A_668 = arith.index_cast %swap3A_667 : i32 to index
        %swap3A_669 = arith.index_cast %add3A_666 : i32 to index
        %swap3A_670 = arith.constant 112 : index
        %swap3A_671 = tpu.vector_load %arg5[%swap3A_668, %swap3A_669, %swap3A_670] {strides = array<i32>} : memref<2x128x128xf32, #tpu.memory_space<vmem>>, vector<1x1x16xf32>,
        %swap3A_672 = vector.shape_cast %swap3A_671 : vector<1x1x16xf32> to vector<16xf32>
        %swap3A_673 = vector.shape_cast %select_n3A_662 : vector<16xf32> to vector<1x1x16xf32>
        tpu.vector_store %arg5[%swap3A_668, %swap3A_669, %swap3A_670], %swap3A_673 {strides = array<i32>} : memref<2x128x128xf32, #tpu.memory_space<vmem>>, vector<1x1x16xf32>,
        %eq3A_674 = arith.constant 1 : i32
        %eq3A_675 = vector.broadcast %eq3A_674 : i32 to vector<16xi32>
        %eq3A_676 = arith.cmpi eq, %get3A_658, %eq3A_675 : vector<16xi32>
        %select_n3A_677 = arith.select %eq3A_676, %broadcast_in_dim3A_1, %broadcast_in_dim3A_3 : vector<16xi1>, vector<16xf32>
        %mul3A_678 = arith.constant 4 : i32
        %mul3A_679 = arith.muli %mul3A_678, %scan3A_169 : i32
        %add3A_680 = arith.constant 1 : i32
        %add3A_681 = arith.addi %mul3A_679, %add3A_680 : i32
        %swap3A_682 = arith.constant 1 : i32
        %swap3A_683 = arith.index_cast %swap3A_682 : i32 to index
        %swap3A_684 = arith.index_cast %add3A_681 : i32 to index
        %swap3A_685 = arith.constant 112 : index
        %swap3A_686 = tpu.vector_load %arg5[%swap3A_683, %swap3A_684, %swap3A_685] {strides = array<i32>} : memref<2x128x128xf32, #tpu.memory_space<vmem>>, vector<1x1x16xf32>,
        %swap3A_687 = vector.shape_cast %swap3A_686 : vector<1x1x16xf32> to vector<16xf32>
        %swap3A_688 = vector.shape_cast %select_n3A_677 : vector<16xf32> to vector<1x1x16xf32>
        tpu.vector_store %arg5[%swap3A_683, %swap3A_684, %swap3A_685], %swap3A_688 {strides = array<i32>} : memref<2x128x128xf32, #tpu.memory_space<vmem>>, vector<1x1x16xf32>,
        %eq3A_689 = arith.constant 2 : i32
        %eq3A_690 = vector.broadcast %eq3A_689 : i32 to vector<16xi32>
        %eq3A_691 = arith.cmpi eq, %get3A_658, %eq3A_690 : vector<16xi32>
        %select_n3A_692 = arith.select %eq3A_691, %broadcast_in_dim3A_1, %broadcast_in_dim3A_3 : vector<16xi1>, vector<16xf32>
        %mul3A_693 = arith.constant 4 : i32
        %mul3A_694 = arith.muli %mul3A_693, %scan3A_169 : i32
        %add3A_695 = arith.constant 2 : i32
        %add3A_696 = arith.addi %mul3A_694, %add3A_695 : i32
        %swap3A_697 = arith.constant 1 : i32
        %swap3A_698 = arith.index_cast %swap3A_697 : i32 to index
        %swap3A_699 = arith.index_cast %add3A_696 : i32 to index
        %swap3A_700 = arith.constant 112 : index
        %swap3A_701 = tpu.vector_load %arg5[%swap3A_698, %swap3A_699, %swap3A_700] {strides = array<i32>} : memref<2x128x128xf32, #tpu.memory_space<vmem>>, vector<1x1x16xf32>,
        %swap3A_702 = vector.shape_cast %swap3A_701 : vector<1x1x16xf32> to vector<16xf32>
        %swap3A_703 = vector.shape_cast %select_n3A_692 : vector<16xf32> to vector<1x1x16xf32>
        tpu.vector_store %arg5[%swap3A_698, %swap3A_699, %swap3A_700], %swap3A_703 {strides = array<i32>} : memref<2x128x128xf32, #tpu.memory_space<vmem>>, vector<1x1x16xf32>,
        %eq3A_704 = arith.constant 3 : i32
        %eq3A_705 = vector.broadcast %eq3A_704 : i32 to vector<16xi32>
        %eq3A_706 = arith.cmpi eq, %get3A_658, %eq3A_705 : vector<16xi32>
        %select_n3A_707 = arith.select %eq3A_706, %broadcast_in_dim3A_1, %broadcast_in_dim3A_3 : vector<16xi1>, vector<16xf32>
        %mul3A_708 = arith.constant 4 : i32
        %mul3A_709 = arith.muli %mul3A_708, %scan3A_169 : i32
        %add3A_710 = arith.constant 3 : i32
        %add3A_711 = arith.addi %mul3A_709, %add3A_710 : i32
        %swap3A_712 = arith.constant 1 : i32
        %swap3A_713 = arith.index_cast %swap3A_712 : i32 to index
        %swap3A_714 = arith.index_cast %add3A_711 : i32 to index
        %swap3A_715 = arith.constant 112 : index
        %swap3A_716 = tpu.vector_load %arg5[%swap3A_713, %swap3A_714, %swap3A_715] {strides = array<i32>} : memref<2x128x128xf32, #tpu.memory_space<vmem>>, vector<1x1x16xf32>,
        %swap3A_717 = vector.shape_cast %swap3A_716 : vector<1x1x16xf32> to vector<16xf32>
        %swap3A_718 = vector.shape_cast %select_n3A_707 : vector<16xf32> to vector<1x1x16xf32>
        tpu.vector_store %arg5[%swap3A_713, %swap3A_714, %swap3A_715], %swap3A_718 {strides = array<i32>} : memref<2x128x128xf32, #tpu.memory_space<vmem>>, vector<1x1x16xf32>,
      }
      %scan3A_139 = arith.constant 32 : i32
      %add3A_140 = arith.constant 1 : i32
      %add3A_141 = arith.addi %add3A_60, %add3A_140 : i32
      %dma_start3A_142 = arith.constant 1 : i32
      %dma_start3A_143 = arith.constant 1 : i32
      %dma_start3A_144 = arith.constant 0 : i32
      %dma_start3A_145 = arith.constant 0 : i32
      %dma_start3A_146 = tpu.memref_slice %arg5[%dma_start3A_142, %dma_start3A_144, %dma_start3A_145] : memref<2x128x128xf32, #tpu.memory_space<vmem>> -> memref<1x128x128xf32, #tpu.memory_space<vmem>>
      %dma_start3A_147 = tpu.memref_squeeze %dma_start3A_146 : memref<1x128x128xf32, #tpu.memory_space<vmem>> -> memref<128x128xf32, #tpu.memory_space<vmem>>
      %dma_start3A_148 = arith.constant 0 : i32
      %dma_start3A_149 = arith.constant 0 : i32
      %dma_start3A_150 = tpu.memref_slice %arg3[%add3A_141, %dma_start3A_148, %dma_start3A_149] : memref<1024x128x128xf32, #tpu.memory_space<hbm>> -> memref<1x128x128xf32, #tpu.memory_space<hbm>>
      %dma_start3A_151 = tpu.memref_squeeze %dma_start3A_150 : memref<1x128x128xf32, #tpu.memory_space<hbm>> -> memref<128x128xf32, #tpu.memory_space<hbm>>
      %dma_start3A_152 = tpu.memref_slice %arg7[%dma_start3A_143] : memref<2x!tpu.dma_semaphore, #tpu.memory_space<semaphore_mem>> -> memref<1x!tpu.dma_semaphore, #tpu.memory_space<semaphore_mem>>
      %dma_start3A_153 = tpu.memref_squeeze %dma_start3A_152 : memref<1x!tpu.dma_semaphore, #tpu.memory_space<semaphore_mem>> -> memref<!tpu.dma_semaphore, #tpu.memory_space<semaphore_mem>>
      %dma_start3A_154 = arith.constant 0 : i32
      %dma_start3A_155 = arith.constant 0 : i32
      %dma_start3A_156 = tpu.memref_slice %arg3[%add3A_141, %dma_start3A_154, %dma_start3A_155] : memref<1024x128x128xf32, #tpu.memory_space<hbm>> -> memref<1x128x128xf32, #tpu.memory_space<hbm>>
      %dma_start3A_157 = tpu.memref_squeeze %dma_start3A_156 : memref<1x128x128xf32, #tpu.memory_space<hbm>> -> memref<128x128xf32, #tpu.memory_space<hbm>>
      %dma_start3A_158 = arith.constant 0 : i32
      %dma_start3A_159 = arith.constant 0 : i32
      %dma_start3A_160 = tpu.memref_slice %arg5[%dma_start3A_142, %dma_start3A_158, %dma_start3A_159] : memref<2x128x128xf32, #tpu.memory_space<vmem>> -> memref<1x128x128xf32, #tpu.memory_space<vmem>>
      %dma_start3A_161 = tpu.memref_squeeze %dma_start3A_160 : memref<1x128x128xf32, #tpu.memory_space<vmem>> -> memref<128x128xf32, #tpu.memory_space<vmem>>
      tpu.enqueue_dma source(%dma_start3A_161 : memref<128x128xf32, #tpu.memory_space<vmem>>) target(%dma_start3A_157 : memref<128x128xf32, #tpu.memory_space<hbm>>) target_semaphore(%dma_start3A_153 : memref<!tpu.dma_semaphore, #tpu.memory_space<semaphore_mem>>)
      %add3A_162 = arith.constant 1 : i32
      %add3A_163 = arith.addi %scan3A_55, %add3A_162 : i32
      %lt3A_164 = arith.constant 16 : i32
      %lt3A_165 = arith.cmpi slt, %add3A_163, %lt3A_164 : i32
      %convert_element_type3A_166 = arith.extui %lt3A_165 : i1 to i32
      %cond3A_167 = arith.constant 0 : i32
      %cond3A_168 = arith.cmpi ne, %convert_element_type3A_166, %cond3A_167 : i32
      scf.if %cond3A_168 {
        %add3A_169 = arith.constant 3 : i32
        %add3A_170 = arith.addi %add3A_60, %add3A_169 : i32
        %dma_start3A_171 = arith.constant 1 : i32
        %dma_start3A_172 = arith.constant 1 : i32
        %dma_start3A_173 = arith.constant 0 : i32
        %dma_start3A_174 = tpu.memref_slice %arg4[%dma_start3A_171, %dma_start3A_173] : memref<2x4096xi32, #tpu.memory_space<vmem>> -> memref<1x4096xi32, #tpu.memory_space<vmem>>
        %dma_start3A_175 = tpu.memref_squeeze %dma_start3A_174 : memref<1x4096xi32, #tpu.memory_space<vmem>> -> memref<4096xi32, #tpu.memory_space<vmem>>
        %dma_start3A_176 = arith.constant 0 : i32
        %dma_start3A_177 = tpu.memref_slice %arg2[%add3A_170, %dma_start3A_176] : memref<1024x4096xi32, #tpu.memory_space<hbm>> -> memref<1x4096xi32, #tpu.memory_space<hbm>>
        %dma_start3A_178 = tpu.memref_squeeze %dma_start3A_177 : memref<1x4096xi32, #tpu.memory_space<hbm>> -> memref<4096xi32, #tpu.memory_space<hbm>>
        %dma_start3A_179 = tpu.memref_slice %arg6[%dma_start3A_172] : memref<2x!tpu.dma_semaphore, #tpu.memory_space<semaphore_mem>> -> memref<1x!tpu.dma_semaphore, #tpu.memory_space<semaphore_mem>>
        %dma_start3A_180 = tpu.memref_squeeze %dma_start3A_179 : memref<1x!tpu.dma_semaphore, #tpu.memory_space<semaphore_mem>> -> memref<!tpu.dma_semaphore, #tpu.memory_space<semaphore_mem>>
        %dma_start3A_181 = arith.constant 0 : i32
        %dma_start3A_182 = tpu.memref_slice %arg4[%dma_start3A_171, %dma_start3A_181] : memref<2x4096xi32, #tpu.memory_space<vmem>> -> memref<1x4096xi32, #tpu.memory_space<vmem>>
        %dma_start3A_183 = tpu.memref_squeeze %dma_start3A_182 : memref<1x4096xi32, #tpu.memory_space<vmem>> -> memref<4096xi32, #tpu.memory_space<vmem>>
        %dma_start3A_184 = arith.constant 0 : i32
        %dma_start3A_185 = tpu.memref_slice %arg2[%add3A_170, %dma_start3A_184] : memref<1024x4096xi32, #tpu.memory_space<hbm>> -> memref<1x4096xi32, #tpu.memory_space<hbm>>
        %dma_start3A_186 = tpu.memref_squeeze %dma_start3A_185 : memref<1x4096xi32, #tpu.memory_space<hbm>> -> memref<4096xi32, #tpu.memory_space<hbm>>
        tpu.enqueue_dma source(%dma_start3A_186 : memref<4096xi32, #tpu.memory_space<hbm>>) target(%dma_start3A_183 : memref<4096xi32, #tpu.memory_space<vmem>>) target_semaphore(%dma_start3A_180 : memref<!tpu.dma_semaphore, #tpu.memory_space<semaphore_mem>>)
      } else {
      }
    }
    %scan3A_8 = arith.constant 16 : i32
    %mul3A_9 = arith.constant 32 : i32
    %mul3A_10 = arith.muli %add3A, %mul3A_9 : i32
    %add3A_11 = arith.constant 32 : i32
    %add3A_12 = arith.addi %mul3A_10, %add3A_11 : i32
    %sub3A = arith.constant 2 : i32
    %sub3A_13 = arith.subi %add3A_12, %sub3A : i32
    %dma_wait3A = arith.constant 0 : i32
    %dma_wait3A_14 = arith.constant 0 : i32
    %dma_wait3A_15 = arith.constant 0 : i32
    %dma_wait3A_16 = arith.constant 0 : i32
    %dma_wait3A_17 = tpu.memref_slice %arg5[%dma_wait3A, %dma_wait3A_15, %dma_wait3A_16] : memref<2x128x128xf32, #tpu.memory_space<vmem>> -> memref<1x128x128xf32, #tpu.memory_space<vmem>>
    %dma_wait3A_18 = tpu.memref_squeeze %dma_wait3A_17 : memref<1x128x128xf32, #tpu.memory_space<vmem>> -> memref<128x128xf32, #tpu.memory_space<vmem>>
    %dma_wait3A_19 = arith.constant 0 : i32
    %dma_wait3A_20 = arith.constant 0 : i32
    %dma_wait3A_21 = tpu.memref_slice %arg3[%sub3A_13, %dma_wait3A_19, %dma_wait3A_20] : memref<1024x128x128xf32, #tpu.memory_space<hbm>> -> memref<1x128x128xf32, #tpu.memory_space<hbm>>
    %dma_wait3A_22 = tpu.memref_squeeze %dma_wait3A_21 : memref<1x128x128xf32, #tpu.memory_space<hbm>> -> memref<128x128xf32, #tpu.memory_space<hbm>>
    %dma_wait3A_23 = tpu.memref_slice %arg7[%dma_wait3A_14] : memref<2x!tpu.dma_semaphore, #tpu.memory_space<semaphore_mem>> -> memref<1x!tpu.dma_semaphore, #tpu.memory_space<semaphore_mem>>
    %dma_wait3A_24 = tpu.memref_squeeze %dma_wait3A_23 : memref<1x!tpu.dma_semaphore, #tpu.memory_space<semaphore_mem>> -> memref<!tpu.dma_semaphore, #tpu.memory_space<semaphore_mem>>
    %dma_wait3A_25 = arith.constant 0 : i32
    %dma_wait3A_26 = arith.constant 0 : i32
    %dma_wait3A_27 = tpu.memref_slice %arg3[%sub3A_13, %dma_wait3A_25, %dma_wait3A_26] : memref<1024x128x128xf32, #tpu.memory_space<hbm>> -> memref<1x128x128xf32, #tpu.memory_space<hbm>>
    %dma_wait3A_28 = tpu.memref_squeeze %dma_wait3A_27 : memref<1x128x128xf32, #tpu.memory_space<hbm>> -> memref<128x128xf32, #tpu.memory_space<hbm>>
    %dma_wait3A_29 = arith.constant 0 : i32
    %dma_wait3A_30 = arith.constant 0 : i32
    %dma_wait3A_31 = tpu.memref_slice %arg5[%dma_wait3A, %dma_wait3A_29, %dma_wait3A_30] : memref<2x128x128xf32, #tpu.memory_space<vmem>> -> memref<1x128x128xf32, #tpu.memory_space<vmem>>
    %dma_wait3A_32 = tpu.memref_squeeze %dma_wait3A_31 : memref<1x128x128xf32, #tpu.memory_space<vmem>> -> memref<128x128xf32, #tpu.memory_space<vmem>>
    tpu.wait_dma2 semaphore(%dma_wait3A_24 : memref<!tpu.dma_semaphore, #tpu.memory_space<semaphore_mem>>) src(%dma_wait3A_32 : memref<128x128xf32, #tpu.memory_space<vmem>>) dst(%dma_wait3A_28 : memref<128x128xf32, #tpu.memory_space<hbm>>)
    %add3A_33 = arith.constant 1 : i32
    %add3A_34 = arith.addi %sub3A_13, %add3A_33 : i32
    %dma_wait3A_35 = arith.constant 1 : i32
    %dma_wait3A_36 = arith.constant 1 : i32
    %dma_wait3A_37 = arith.constant 0 : i32
    %dma_wait3A_38 = arith.constant 0 : i32
    %dma_wait3A_39 = tpu.memref_slice %arg5[%dma_wait3A_35, %dma_wait3A_37, %dma_wait3A_38] : memref<2x128x128xf32, #tpu.memory_space<vmem>> -> memref<1x128x128xf32, #tpu.memory_space<vmem>>
    %dma_wait3A_40 = tpu.memref_squeeze %dma_wait3A_39 : memref<1x128x128xf32, #tpu.memory_space<vmem>> -> memref<128x128xf32, #tpu.memory_space<vmem>>
    %dma_wait3A_41 = arith.constant 0 : i32
    %dma_wait3A_42 = arith.constant 0 : i32
    %dma_wait3A_43 = tpu.memref_slice %arg3[%add3A_34, %dma_wait3A_41, %dma_wait3A_42] : memref<1024x128x128xf32, #tpu.memory_space<hbm>> -> memref<1x128x128xf32, #tpu.memory_space<hbm>>
    %dma_wait3A_44 = tpu.memref_squeeze %dma_wait3A_43 : memref<1x128x128xf32, #tpu.memory_space<hbm>> -> memref<128x128xf32, #tpu.memory_space<hbm>>
    %dma_wait3A_45 = tpu.memref_slice %arg7[%dma_wait3A_36] : memref<2x!tpu.dma_semaphore, #tpu.memory_space<semaphore_mem>> -> memref<1x!tpu.dma_semaphore, #tpu.memory_space<semaphore_mem>>
    %dma_wait3A_46 = tpu.memref_squeeze %dma_wait3A_45 : memref<1x!tpu.dma_semaphore, #tpu.memory_space<semaphore_mem>> -> memref<!tpu.dma_semaphore, #tpu.memory_space<semaphore_mem>>
    %dma_wait3A_47 = arith.constant 0 : i32
    %dma_wait3A_48 = arith.constant 0 : i32
    %dma_wait3A_49 = tpu.memref_slice %arg3[%add3A_34, %dma_wait3A_47, %dma_wait3A_48] : memref<1024x128x128xf32, #tpu.memory_space<hbm>> -> memref<1x128x128xf32, #tpu.memory_space<hbm>>
    %dma_wait3A_50 = tpu.memref_squeeze %dma_wait3A_49 : memref<1x128x128xf32, #tpu.memory_space<hbm>> -> memref<128x128xf32, #tpu.memory_space<hbm>>
    %dma_wait3A_51 = arith.constant 0 : i32
    %dma_wait3A_52 = arith.constant 0 : i32
    %dma_wait3A_53 = tpu.memref_slice %arg5[%dma_wait3A_35, %dma_wait3A_51, %dma_wait3A_52] : memref<2x128x128xf32, #tpu.memory_space<vmem>> -> memref<1x128x128xf32, #tpu.memory_space<vmem>>
    %dma_wait3A_54 = tpu.memref_squeeze %dma_wait3A_53 : memref<1x128x128xf32, #tpu.memory_space<vmem>> -> memref<128x128xf32, #tpu.memory_space<vmem>>
    tpu.wait_dma2 semaphore(%dma_wait3A_46 : memref<!tpu.dma_semaphore, #tpu.memory_space<semaphore_mem>>) src(%dma_wait3A_54 : memref<128x128xf32, #tpu.memory_space<vmem>>) dst(%dma_wait3A_50 : memref<128x128xf32, #tpu.memory_space<hbm>>)
    return
  }
}

</mosaic_0001>

<sc_bundles>
// kernel: kernel.3.cloned.1.call-start
scs
__scs_entry_jumppad:
0x0: {  	(pc) =	sbr.rel $0x88, $3  }
0x1: {  	(tag) =	ssettag $0x0;
	lr =	simm.s32 $0x1  }
0x2: {  	[smem:$0x3FA0] =	sst lr;
	_ =	strace $0xD0000000  }
0x3: {  	_ = 	snop  }
0x4: {  	_ = 	snop  }
0x5: {  	_ = 	snop  }
0x6: {  	_ = 	snop  }
0x7: {  	_ = 	snop  }
__scs_overlays_trampoline_lowered:
0x8: {  	[smem:$0x3FAF] =	sst s0  }
0x9: {  	[smem:$0x3FB0] =	sst s1  }
0xa: {  	[smem:$0x3FB1] =	sst s2  }
0xb: {  	[smem:$0x3FB2] =	sst s3  }
0xc: {  	[smem:$0x3FB3] =	sst s4  }
0xd: {  	[smem:$0x3FB4] =	sst s5  }
0xe: {  	[smem:$0x3FB5] =	sst s6  }
0xf: {  	[smem:$0x3FB6] =	sst s7  }
0x10: {  	[smem:$0x3FB7] =	sst s8  }
0x11: {  	[smem:$0x3FB8] =	sst s9;
	s0 =	simm.s32 @!p0 $0x0  }
0x12: {  	s1 =	sld [smem:$0x3F9E];
	s0 =	simm.s32 @p0 $0x1  }
0x13: {  	[smem:$0x3FB9] =	sst s0;
	s0 =	simm.s32 @!p1 $0x0  }
0x14: {  	s2 =	sld [smem:$0x3F9D];
	s0 =	simm.s32 @p1 $0x1  }
0x15: {  	[smem:$0x3FBA] =	sst s0;
	s0 =	simm.s32 @!p2 $0x0  }
0x16: {  	s3 =	sld [smem:$0x3FDB];
	s0 =	simm.s32 @p2 $0x1  }
0x17: {  	s4 =	simm.s32 $0x1BF5;
	[smem:$0x3FBC] =	sst s0  }
0x18: {  	s0 =	sld [smem:$0x3F9F];
	_ =	swait.ge [sflag:s4], $0x0  }
0x19: {  	s7 =	sld [smem:$0x3FA0]  }
0x1a: {  	s8 =	sadd.s32 $0xFFFFE003, lr  }
0x1b: {  	s9 =	sadd.s32 $0xFFFFFEF7, lr;
	s5 =	simm.s32 $0xFFFFFFFF;
	p2 =	slt.u32 s8, $0xFFFFF086  }
0x1c: {  	p1 =	slt.u32 s9, $0xF7A;
	s5 =	simm.s32 @!p2 $0x0  }
0x1d: {  	s5 =	simm.s32 @p1 $0x1;
	p0 =	seq.s32 s7, s2  }
0x1e: {  	s7 =	smul.u32 @!p0 $0xF7A, s2;
	p2 =	seq.s32 @!p0 s5, $0x0  }
0x1f: {  	s9 =	smul.u32 $0xF7A, s1;
	s8 =	simm.s32 @!p0 $0x1BF5;
	p2 =	por !p2, p0  }
0x20: {  	[sflag:s8] =	ssyncset.s32 @!p0 $0xFFFFF086;
	s6 =	sadd.s32 @!p0 s3, s7;
	s7 =	simm.s32 @!p0 $0x108  }
0x21: {  	s3 =	sadd.s32 s3, s9;
	s6 =	sadd.s32 @!p0 $0x88, s6;
	s7 =	simm.s32 @p2 $0x1082  }
0x22: {  	[simem:s7], [sflag:s8] =	dma.local @!p0 [hbm:s6], $0xF7A  }
0x23: {  	s9 =	sor.u32 $0xD0000000, s2;
	s6 =	simm.s32 $0x108;
	_ =	swait.ge @!p0 [sflag:s8], $0x0  }
0x24: {  	s3 =	sadd.s32 $0x88, s3;
	s6 =	simm.s32 @!p1 $0x1082;
	[sflag:s4] =	ssyncset.s32 $0xFFFFF086  }
0x25: {  	[simem:s6], [sflag:s4] =	dma.local [hbm:s3], $0xF7A  }
0x26: {  	[smem:$0x3FA0] =	sst s1;
	(tag) =	ssettag s2;
	_ =	strace s9  }
0x27: {  	s1 =	sld [smem:$0x3FB0]  }
0x28: {  	s2 =	sld [smem:$0x3FB1]  }
0x29: {  	s4 =	sld [smem:$0x3FB3]  }
0x2a: {  	p0 =	seq.s32 s5, $0x0;
	s5 =	sld [smem:$0x3FB4]  }
0x2b: {  	s6 =	sld [smem:$0x3FB5]  }
0x2c: {  	s7 =	sld [smem:$0x3FB6]  }
0x2d: {  	s3 =	simm.s32 $0x108;
	s8 =	sld [smem:$0x3FB7]  }
0x2e: {  	s3 =	simm.s32 @!p0 $0x1082;
	s9 =	sld [smem:$0x3FB8]  }
0x2f: {  	lr =	sadd.s32 s0, s3;
	s0 =	sld [smem:$0x3FAF]  }
0x30: {  	s3 =	sld [smem:$0x3FB2]  }
0x31: {  	[smem:$0x3FBB] =	sst s10  }
0x32: {  	s10 =	sld [smem:$0x3FB9];
	_ =	sdelay $0x3  }
0x33: {  	p0 =	seq.s32 s10, $0x1;
	s10 =	sld [smem:$0x3FBB];
	_ =	sdelay $0x3  }
0x34: {  	[smem:$0x3FBB] =	sst s10  }
0x35: {  	s10 =	sld [smem:$0x3FBA];
	_ =	sdelay $0x3  }
0x36: {  	p1 =	seq.s32 s10, $0x1;
	s10 =	sld [smem:$0x3FBB];
	_ =	sdelay $0x3  }
0x37: {  	[smem:$0x3FBB] =	sst s10  }
0x38: {  	s10 =	sld [smem:$0x3FBC]  }
0x39: {  	_ = 	snop;
	(pc) =	sbr.ind lr, $3  }
0x3a: {  	_ = 	snop  }
0x3b: {  	_ = 	snop  }
0x3c: {  	p2 =	seq.s32 s10, $0x1;
	s10 =	sld [smem:$0x3FBB]  }
0x3d: {  	_ =	shalt  }
0x3e: {  	_ =	shalt  }
0x3f: {  	_ =	shalt  }
0x40: {  	_ =	shalt  }
0x41: {  	_ =	shalt  }
0x42: {  	_ =	shalt  }
0x43: {  	_ =	shalt  }
0x44: {  	_ =	shalt  }
0x45: {  	_ =	shalt  }
0x46: {  	_ =	shalt  }
0x47: {  	_ =	shalt  }
0x48: {  	_ =	shalt  }
0x49: {  	_ =	shalt  }
0x4a: {  	_ =	shalt  }
0x4b: {  	_ =	shalt  }
0x4c: {  	_ =	shalt  }
0x4d: {  	_ =	shalt  }
0x4e: {  	_ =	shalt  }
0x4f: {  	_ =	shalt  }
0x50: {  	_ =	shalt  }
0x51: {  	_ =	shalt  }
0x52: {  	_ =	shalt  }
0x53: {  	_ =	shalt  }
0x54: {  	_ =	shalt  }
0x55: {  	_ =	shalt  }
0x56: {  	_ =	shalt  }
0x57: {  	_ =	shalt  }
0x58: {  	_ =	shalt  }
0x59: {  	_ =	shalt  }
0x5a: {  	_ =	shalt  }
0x5b: {  	_ =	shalt  }
0x5c: {  	_ =	shalt  }
0x5d: {  	_ =	shalt  }
0x5e: {  	_ =	shalt  }
0x5f: {  	_ =	shalt  }
0x60: {  	_ =	shalt  }
0x61: {  	_ =	shalt  }
0x62: {  	_ =	shalt  }
0x63: {  	_ =	shalt  }
0x64: {  	_ =	shalt  }
0x65: {  	_ =	shalt  }
0x66: {  	_ =	shalt  }
0x67: {  	_ =	shalt  }
0x68: {  	_ =	shalt  }
0x69: {  	_ =	shalt  }
0x6a: {  	_ =	shalt  }
0x6b: {  	_ =	shalt  }
0x6c: {  	_ =	shalt  }
0x6d: {  	_ =	shalt  }
0x6e: {  	_ =	shalt  }
0x6f: {  	_ =	shalt  }
0x70: {  	_ =	shalt  }
0x71: {  	_ =	shalt  }
0x72: {  	_ =	shalt  }
0x73: {  	_ =	shalt  }
0x74: {  	_ =	shalt  }
0x75: {  	_ =	shalt  }
0x76: {  	_ =	shalt  }
0x77: {  	_ =	shalt  }
0x78: {  	_ =	shalt  }
0x79: {  	_ =	shalt  }
0x7a: {  	_ =	shalt  }
0x7b: {  	_ =	shalt  }
0x7c: {  	_ =	shalt  }
0x7d: {  	_ =	shalt  }
0x7e: {  	_ =	shalt  }
0x7f: {  	_ =	shalt  }
0x80: {  	_ =	shalt  }
0x81: {  	_ =	shalt  }
0x82: {  	_ =	shalt  }
0x83: {  	_ =	shalt  }
0x84: {  	_ =	shalt  }
0x85: {  	_ =	shalt  }
0x86: {  	_ =	shalt  }
0x87: {  	_ =	shalt  }
.Lfunc_end0:
.L_simem_size_0:
called_computation_lowered:
.L_overlay_start_0:
0x88: {  	s2 =	sld [smem:$0x3FD9]  }
0x89: {  	s3 =	sld [smem:$0x3FFE];
	_ =	sdelay $0x1  }
0x8a: {  	s1 =	srdreg.scid  }
0x8b: {  	s0 =	sand.u32 $0x1, s1  }
0x8c: {  	s18 =	sshll.u32 s0, $0xA;
	s2 =	sadd.s32 s3, s2  }
0x8d: {  	s2 =	sadd.s32 s2, s18  }
0x8e: {  	[smem:$0x3FC7] =	sst s2  }
0x8f: {  	_ = 	snop  }
0x90: {  	s2 =	sld [smem:$0x3FC9]  }
0x91: {  	s19 =	sld [smem:$0x3FD0];
	(tm) =	ssettm $0x1  }
0x92: {  	s4 =	sld [smem:$0x3FFB];
	_ =	sdelay $0x3  }
0x93: {  	_ =	strace s4  }
0x94: {  	s4 =	sld [smem:$0x3FFC];
	_ =	sdelay $0x3  }
0x95: {  	_ =	strace s4  }
0x96: {  	s4 =	sld [smem:$0x3FFD];
	_ =	sdelay $0x3  }
0x97: {  	_ =	strace s4  }
0x98: {  	_ =	strace $0x8FFFFFFF  }
0x99: {  	s20 =	sld [smem:$0x3FDB];
	_ =	sdelay $0x1  }
0x9a: {  	s5 =	simm.s32 $_scs_section_size  }
0x9b: {  	s6 =	simm.s32 $_size__tile_overlayer_lowered;
	s7 =	simm.s32 $_tile_overlayer_lowered  }
0x9c: {  	s23 =	simm.s32 $0x1BFF;
	s22 =	sshll.u32 s7, $0x1;
	s4 =	sadd.s32 s5, s20  }
0x9d: {  	s8 =	simm.s32 $0x0;
	s21 =	sshll.u32 s6, $0x1;
	s6 =	sadd.s32 s22, s4  }
0x9e: {  	[timem:s8], [sflag:s23] =	dma.local [hbm:s6], s21  }
0x9f: {  	_ =	swait.ge [sflag:s23], s21  }
0xa0: {  	s5 =	ssub.s32 $0x0, s21;
	[sflag:s23] =	ssyncset.done $0x0  }
0xa1: {  	[sflag:s23] =	ssyncadd.s32 s5;
	_ =	sdelay $0x1  }
0xa2: {  	s24 =	simm.s32 $0x1B8B  }
0xa3: {  	_ =	swait.ge [sflag:s24], $0x1  }
0xa4: {  	[sflag:s24] =	ssyncset.done $0x0  }
0xa5: {  	s25 =	simm.s32 $0x1B8E;
	[sflag:s24] =	ssyncadd.s32 $0xFFFFFFFF  }
0xa6: {  	s26 =	simm.s32 $execute0_lowered;
	[smem:$0x3FD2] =	sst s25  }
0xa7: {  	s5 =	sshll.u32 s26, $0x1;
	_ =	strace $0x80000046;
	[dreg:$0x1] =	wrdreg $0xFFFFFFFF  }
0xa8: {  	s28 =	simm.s32 $_size_execute0_lowered;
	s4 =	sadd.s32 s4, s5;
	[dreg:$0x0] =	wrdreg $0x0  }
0xa9: {  	s5 =	sshll.u32 s28, $0x1;
	[dreg:$0x2] =	wrdreg s4  }
0xaa: {  	[dreg:$0x3] =	wrdreg s5  }
0xab: {  	[dreg:$0x4] =	wrdreg $0xC0  }
0xac: {  	_ =	task [dreg:s8], $0x5FFFF  }
0xad: {  	[dreg:$0x1] =	wrdreg $0xFFFFFFFF  }
0xae: {  	[dreg:$0x0] =	wrdreg $0x60  }
0xaf: {  	[dreg:$0x2] =	wrdreg s2  }
0xb0: {  	[dreg:$0x3] =	wrdreg s19  }
0xb1: {  	[dreg:$0x4] =	wrdreg $0x9  }
0xb2: {  	_ =	task.clear_ibuf [dreg:s8], $0x5FFFF;
	_ =	strace $0x90000046  }
0xb3: {  	s29 =	simm.s32 $0x9;
	_ =	strace $0x80000048  }
0xb4: {  	_ =	swait.ge [sflag:s29], $0x1  }
0xb5: {  	[sflag:s29] =	ssyncadd.s32 $0xFFFFFFFF  }
0xb6: {  	_ =	strace $0x90000048  }
0xb7: {  	_ =	sfence  }
0xb8: {  	s30 =	sld [smem:$0x0];
	_ =	sdelay $0x2  }
0xb9: {  	s31 =	sshll.u32 s1, $0xD;
	s1 =	sshrl.u32 s1, $0x2  }
0xba: {  	s3 =	sand.u32 $0x4000, s31;
	s1 =	sadd.s32 s1, s30  }
0xbb: {  	s0 =	sor.u32 s3, s0;
	s1 =	sshll.u32 s1, $0x11  }
0xbc: {  	s0 =	sor.u32 s1, s0  }
0xbd: {  	s0 =	sadd.s32 $0x8F2B, s0  }
0xbe: {  	[sflag:s0] =	ssyncadd.remote.s32 $0x1  }
0xbf: {  	_ =	sfence.sel $0xFFFF  }
0xc0: {  	[dreg:$0x0] =	wrdreg $0xFFFFFFFF;
	(pc) =	sbr.abs _section_cstart, $3  }
0xc1: {  	[dreg:$0x1] =	wrdreg $0xFFFFFFFF  }
0xc2: {  	_ =	task.clear_ibuf [dreg:s8], $0x2FFFF;
	_ =	strace $0x9FFFFFFF  }
0xc3: {  	(tm) =	ssettm $0x7FFFFFFF  }
tec
execute0_lowered:
.L_overlay_start_1:
0x0: {  	(tag) =	ssettag $0x1  }
0x1: {  	s1 =	srdreg.scid;
	s2 =	rddreg [dreg:$0x0]  }
0x2: {  	s0 =	stileid.u32;
	s3 =	rddreg [dreg:$0x1]  }
0x3: {  	s10 =	simm.s32 $0x1;
	s11 =	simm.s32 $0x2000;
	s12 =	simm.s32 $0x2  }
0x4: {  	s13 =	simm.s32 $0x6000;
	s14 =	simm.s32 $0x3;
	s15 =	simm.s32 $0x4  }
0x5: {  	s16 =	simm.s32 $0x0;
	s6 =	sand.u32 $0x1, s1;
	s4 =	sshll.u32 s0, $0x6  }
.Ltmp0:
0x6: {  	s1 =	rddreg [dreg:$0x2];
	s5 =	sshll.u32 s6, $0x5;
	(pc) =	sbr.rel .LBB2_1-.Ltmp0, $4  }
0x7: {  	s7 =	ssub.s32 $0x2, s6;
	s4 =	sor.u32 s5, s4;
	s5 =	simm.s32 $0x0  }
0x8: {  	s8 =	sshrl.u32 s7, $0x1;
	s31 =	sshll.u32 s4, $0x9;
	[smem:$0x7FF] =	sst s5  }
0x9: {  	s9 =	ssub.s32 s7, s8;
	s8 =	sadd.s32 $0x800, s3;
	s6 =	sadd.s32 s2, s31  }
0xa: {  	v0 =	vimm.f32 $0.0e+00;
	_ =	strace $0x80000047;
	s9 =	smax.u32 s9, $0x1;
	s7 =	sadd.s32 $0x10, s6  }
.LBB2_21:
0xb: {  	s16 =	sadd.s32 $0x1, s16  }
0xc: {  	_ =	swait.ge [sflag:s14], $0x4000;
	p0 =	sne.s32 s16, s9  }
.Ltmp1:
0xd: {  	[sflag:s14] =	ssyncset.done $0x0;
	(pc) =	sbr.rel @!p0 .LBB2_22-.Ltmp1, $4  }
0xe: {  	[sflag:s14] =	ssyncadd.s32 $0xFFFFC000  }
0xf: {  	_ =	swait.ge [sflag:s15], $0x4000  }
0x10: {  	[sflag:s15] =	ssyncset.done $0x0  }
0x11: {  	[sflag:s15] =	ssyncadd.s32 $0xFFFFC000  }
.LBB2_1:
0x12: {  	s17 =	simm.s32 $0x0  }
.LBB2_2:
0x13: {  	p0 =	sne.s32 s17, $0x0  }
.Ltmp2:
0x14: {  	_ = 	snop;
	(pc) =	sbr.rel @!p0 .LBB2_3-.Ltmp2, $1  }
0x15: {  	_ =	sdelay $0x3  }
0x16: {  	_ =	swait.ge [sflag:s14], $0x4000  }
.Ltmp3:
0x17: {  	[sflag:s14] =	ssyncset.done $0x0;
	(pc) =	sbr.rel .LBB2_9-.Ltmp3, $4  }
0x18: {  	[sflag:s14] =	ssyncadd.s32 $0xFFFFC000  }
0x19: {  	_ =	swait.ge [sflag:s15], $0x4000  }
0x1a: {  	[sflag:s15] =	ssyncset.done $0x0  }
0x1b: {  	[sflag:s15] =	ssyncadd.s32 $0xFFFFC000  }
.LBB2_3:
0x1c: {  	s18 =	simm.s32 $0x0  }
0x1d: {  	s19 =	simm.s32 $0x80;
	s21 =	sadd.s32 $0x0, s6;
	s20 =	simm.s32 $0x100  }
.LBB2_4:
0x1e: {  	[tilespmem:s18], [sflag:$0x1] =	stream.linear.gather [hbm4b:s21+s5], $0x80, $0x38;
	[tilespmem:$0xA000] =	vst v63  }
0x1f: {  	s21 =	smov.u32 s19;
	s18 =	smov.u32 s20;
	p0 =	sne.s32 s19, $0xF80  }
.Ltmp4:
0x20: {  	s19 =	sadd.s32 $0x80, s19;
	(pc) =	sbr.rel @p0 .LBB2_4-.Ltmp4, $2  }
0x21: {  	_ =	sdelay $0x2  }
0x22: {  	s20 =	sadd.s32 $0x100, s20;
	s21 =	sadd.s32 s21, s6  }
0x23: {  	[tilespmem:s18], [sflag:$0x1] =	stream.linear.gather [hbm4b:s21+s5], $0x80, $0x38;
	[tilespmem:$0xA000] =	vst v63  }
0x24: {  	s18 =	simm.s32 $0x80  }
0x25: {  	s19 =	simm.s32 $0x80;
	s21 =	sadd.s32 $0x0, s7;
	s20 =	simm.s32 $0x180  }
.LBB2_6:
0x26: {  	[tilespmem:s18], [sflag:$0x2] =	stream.linear.gather [hbm4b:s21+s5], $0x80, $0x38;
	[tilespmem:$0xA000] =	vst v63  }
0x27: {  	s21 =	smov.u32 s19;
	s18 =	smov.u32 s20;
	p0 =	seq.s32 s19, $0xF80  }
.Ltmp5:
0x28: {  	s19 =	sadd.s32 $0x80, s19;
	(pc) =	sbr.rel @!p0 .LBB2_6-.Ltmp5, $2  }
0x29: {  	_ =	sdelay $0x2  }
0x2a: {  	s20 =	sadd.s32 $0x100, s20;
	s21 =	sadd.s32 s21, s7  }
0x2b: {  	[tilespmem:s18], [sflag:$0x2] =	stream.linear.gather [hbm4b:s21+s5], $0x80, $0x38;
	[tilespmem:$0xA000] =	vst v63  }
.LBB2_9:
0x2c: {  	_ =	swait.ge [sflag:s10], $0x1000  }
0x2d: {  	[sflag:s10] =	ssyncset.done $0x0  }
0x2e: {  	s19 =	simm.s32 $0x0;
	[sflag:s10] =	ssyncadd.s32 $0xFFFFF000  }
0x2f: {  	v1 =	vld [tilespmem:s19+$0x0];
	_ =	sdelay $0x4  }
0x30: {  	vm0 =	veq.s32 v1, $0x0  }
0x31: {  	s20 =	simm.s32 $0x2100;
	vm1 =	veq.s32 v1, $0x1;
	v2 =	vsel vm0, $0x3F800000, v0  }
0x32: {  	vm7 =	veq.s32 v1, $0x2;
	v3 =	vsel vm1, $0x3F800000, v0;
	[tilespmem:s20+$0xFFFFFF00] =	vst v2  }
0x33: {  	vm8 =	veq.s32 v1, $0x3;
	v1 =	vsel vm7, $0x3F800000, v0;
	[tilespmem:s20+$0xFFFFFF80] =	vst v3  }
0x34: {  	v2 =	vsel vm8, $0x3F800000, v0;
	[tilespmem:s20+$0x0] =	vst v1  }
0x35: {  	[tilespmem:s20+$0x80] =	vst v2  }
0x36: {  	v1 =	vld [tilespmem:s19+$0x10];
	_ =	sdelay $0x4  }
0x37: {  	vm9 =	veq.s32 v1, $0x1  }
0x38: {  	vm10 =	veq.s32 v1, $0x0;
	v2 =	vsel vm9, $0x3F800000, v0  }
0x39: {  	vm11 =	veq.s32 v1, $0x2;
	v3 =	vsel vm10, $0x3F800000, v0;
	[tilespmem:s20+$0xFFFFFF90] =	vst v2  }
0x3a: {  	vm12 =	veq.s32 v1, $0x3;
	v1 =	vsel vm11, $0x3F800000, v0;
	[tilespmem:s20+$0xFFFFFF10] =	vst v3  }
0x3b: {  	v2 =	vsel vm12, $0x3F800000, v0;
	[tilespmem:s20+$0x10] =	vst v1  }
0x3c: {  	[tilespmem:s20+$0x90] =	vst v2  }
0x3d: {  	v1 =	vld [tilespmem:s19+$0x20];
	_ =	sdelay $0x4  }
0x3e: {  	vm13 =	veq.s32 v1, $0x0  }
0x3f: {  	vm14 =	veq.s32 v1, $0x1;
	v2 =	vsel vm13, $0x3F800000, v0  }
0x40: {  	vm15 =	veq.s32 v1, $0x3;
	v3 =	vsel vm14, $0x3F800000, v0;
	[tilespmem:s20+$0xFFFFFF20] =	vst v2  }
0x41: {  	vm4 =	veq.s32 v1, $0x2;
	v1 =	vsel vm15, $0x3F800000, v0;
	[tilespmem:s20+$0xFFFFFFA0] =	vst v3  }
0x42: {  	v2 =	vsel vm4, $0x3F800000, v0;
	[tilespmem:s20+$0xA0] =	vst v1  }
0x43: {  	[tilespmem:s20+$0x20] =	vst v2  }
0x44: {  	v1 =	vld [tilespmem:s19+$0x30];
	_ =	sdelay $0x4  }
0x45: {  	vm5 =	veq.s32 v1, $0x0  }
0x46: {  	vm6 =	veq.s32 v1, $0x1;
	v2 =	vsel vm5, $0x3F800000, v0  }
0x47: {  	vm7 =	veq.s32 v1, $0x3;
	v3 =	vsel vm6, $0x3F800000, v0;
	[tilespmem:s20+$0xFFFFFF30] =	vst v2  }
0x48: {  	vm8 =	veq.s32 v1, $0x2;
	v1 =	vsel vm7, $0x3F800000, v0;
	[tilespmem:s20+$0xFFFFFFB0] =	vst v3  }
0x49: {  	v2 =	vsel vm8, $0x3F800000, v0;
	[tilespmem:s20+$0xB0] =	vst v1  }
0x4a: {  	[tilespmem:s20+$0x30] =	vst v2  }
0x4b: {  	v1 =	vld [tilespmem:s19+$0x40];
	_ =	sdelay $0x4  }
0x4c: {  	vm9 =	veq.s32 v1, $0x0  }
0x4d: {  	vm11 =	veq.s32 v1, $0x1;
	v2 =	vsel vm9, $0x3F800000, v0  }
0x4e: {  	vm10 =	veq.s32 v1, $0x3;
	vm12 =	veq.s32 v1, $0x2;
	v1 =	vsel vm11, $0x3F800000, v0;
	[tilespmem:s20+$0xFFFFFF40] =	vst v2  }
0x4f: {  	v2 =	vsel vm10, $0x3F800000, v0;
	[tilespmem:s20+$0xFFFFFFC0] =	vst v1  }
0x50: {  	[tilespmem:s20+$0xC0] =	vst v2;
	v2 =	vsel vm12, $0x3F800000, v0  }
0x51: {  	[tilespmem:s20+$0x40] =	vst v2  }
0x52: {  	v1 =	vld [tilespmem:s19+$0x50];
	_ =	sdelay $0x4  }
0x53: {  	vm13 =	veq.s32 v1, $0x0;
	vm14 =	veq.s32 v1, $0x1  }
0x54: {  	s18 =	sshll.u32 s17, $0x1;
	vm2 =	veq.s32 v1, $0x2;
	vm15 =	veq.s32 v1, $0x3;
	v2 =	vsel vm13, $0x3F800000, v0  }
0x55: {  	s21 =	simm.s32 $0x400;
	s22 =	simm.s32 $0x2100;
	s18 =	sadd.s32 s4, s18;
	v3 =	vsel vm14, $0x3F800000, v0;
	v1 =	vsel vm15, $0x3F800000, v0;
	[tilespmem:s20+$0xFFFFFF50] =	vst v2;
	v2 =	vsel vm2, $0x3F800000, v0  }
.LBB2_10:
0x56: {  	p0 =	sne.s32 s21, $0x7C00  }
0x57: {  	[tilespmem:s20+$0xFFFFFFD0] =	vst v3;
	s22 =	sadd.s32 $0x200, s22;
	s23 =	smov.u32 s21;
	s21 =	sadd.s32 $0x400, s21  }
0x58: {  	_ =	sdelay $0x2  }
0x59: {  	[tilespmem:s20+$0x50] =	vst v2  }
0x5a: {  	[tilespmem:s20+$0xD0] =	vst v1  }
0x5b: {  	v1 =	vld [tilespmem:s19+$0x60];
	_ =	sdelay $0x4  }
0x5c: {  	vm0 =	veq.s32 v1, $0x0;
	vm1 =	veq.s32 v1, $0x1;
	vm2 =	veq.s32 v1, $0x3  }
0x5d: {  	v2 =	vsel vm1, $0x3F800000, v0;
	vm1 =	veq.s32 v1, $0x2;
	v1 =	vsel vm2, $0x3F800000, v0  }
0x5e: {  	v3 =	vsel vm0, $0x3F800000, v0;
	v4 =	vsel vm1, $0x3F800000, v0;
	[tilespmem:s20+$0xE0] =	vst v1  }
0x5f: {  	[tilespmem:s20+$0xFFFFFFE0] =	vst v2  }
0x60: {  	[tilespmem:s20+$0x60] =	vst v4  }
0x61: {  	[tilespmem:s20+$0xFFFFFF60] =	vst v3  }
0x62: {  	v1 =	vld [tilespmem:s19+$0x70];
	_ =	sdelay $0x4  }
0x63: {  	vm0 =	veq.s32 v1, $0x0;
	vm1 =	veq.s32 v1, $0x1;
	vm2 =	veq.s32 v1, $0x2  }
0x64: {  	v2 =	vsel vm0, $0x3F800000, v0;
	v3 =	vsel vm1, $0x3F800000, v0;
	vm0 =	veq.s32 v1, $0x3  }
0x65: {  	v1 =	vsel vm2, $0x3F800000, v0;
	[tilespmem:s20+$0xFFFFFF70] =	vst v2;
	v2 =	vsel vm0, $0x3F800000, v0  }
0x66: {  	[tilespmem:s20+$0xFFFFFFF0] =	vst v3  }
0x67: {  	[tilespmem:s20+$0x70] =	vst v1  }
0x68: {  	s19 =	sshra.s32 s23, $0x2;
	[tilespmem:s20+$0xF0] =	vst v2;
	s20 =	smov.u32 s22  }
0x69: {  	v1 =	vld [tilespmem:s19+$0x0];
	_ =	sdelay $0x4  }
0x6a: {  	vm0 =	veq.s32 v1, $0x0;
	vm1 =	veq.s32 v1, $0x1;
	vm2 =	veq.s32 v1, $0x2  }
0x6b: {  	v2 =	vsel vm0, $0x3F800000, v0;
	v3 =	vsel vm1, $0x3F800000, v0;
	vm0 =	veq.s32 v1, $0x3  }
0x6c: {  	v1 =	vsel vm2, $0x3F800000, v0;
	[tilespmem:s22+$0xFFFFFF00] =	vst v2;
	v2 =	vsel vm0, $0x3F800000, v0  }
0x6d: {  	[tilespmem:s22+$0xFFFFFF80] =	vst v3  }
0x6e: {  	[tilespmem:s22+$0x0] =	vst v1  }
0x6f: {  	[tilespmem:s22+$0x80] =	vst v2  }
0x70: {  	v1 =	vld [tilespmem:s19+$0x10];
	_ =	sdelay $0x4  }
0x71: {  	vm0 =	veq.s32 v1, $0x0;
	vm1 =	veq.s32 v1, $0x1;
	vm2 =	veq.s32 v1, $0x3  }
0x72: {  	v2 =	vsel vm0, $0x3F800000, v0;
	v3 =	vsel vm1, $0x3F800000, v0;
	v4 =	vsel vm2, $0x3F800000, v0  }
0x73: {  	vm0 =	veq.s32 v1, $0x2;
	[tilespmem:s22+$0xFFFFFF90] =	vst v3  }
0x74: {  	v1 =	vsel vm0, $0x3F800000, v0;
	[tilespmem:s22+$0xFFFFFF10] =	vst v2  }
0x75: {  	[tilespmem:s22+$0x10] =	vst v1  }
0x76: {  	[tilespmem:s22+$0x90] =	vst v4  }
0x77: {  	v1 =	vld [tilespmem:s19+$0x20];
	_ =	sdelay $0x4  }
0x78: {  	vm0 =	veq.s32 v1, $0x0;
	vm1 =	veq.s32 v1, $0x1;
	vm2 =	veq.s32 v1, $0x2  }
0x79: {  	v2 =	vsel vm0, $0x3F800000, v0;
	v3 =	vsel vm1, $0x3F800000, v0;
	vm0 =	veq.s32 v1, $0x3  }
0x7a: {  	v1 =	vsel vm2, $0x3F800000, v0;
	[tilespmem:s22+$0xFFFFFF20] =	vst v2;
	v2 =	vsel vm0, $0x3F800000, v0  }
0x7b: {  	[tilespmem:s22+$0xFFFFFFA0] =	vst v3  }
0x7c: {  	[tilespmem:s22+$0xA0] =	vst v2  }
0x7d: {  	[tilespmem:s22+$0x20] =	vst v1  }
0x7e: {  	v1 =	vld [tilespmem:s19+$0x30];
	_ =	sdelay $0x4  }
0x7f: {  	vm0 =	veq.s32 v1, $0x0;
	vm1 =	veq.s32 v1, $0x1;
	vm2 =	veq.s32 v1, $0x2  }
0x80: {  	v2 =	vsel vm0, $0x3F800000, v0;
	v3 =	vsel vm1, $0x3F800000, v0;
	vm0 =	veq.s32 v1, $0x3  }
0x81: {  	v1 =	vsel vm2, $0x3F800000, v0;
	[tilespmem:s22+$0xFFFFFF30] =	vst v2;
	v2 =	vsel vm0, $0x3F800000, v0  }
0x82: {  	[tilespmem:s22+$0xFFFFFFB0] =	vst v3  }
0x83: {  	[tilespmem:s22+$0xB0] =	vst v2  }
0x84: {  	[tilespmem:s22+$0x30] =	vst v1  }
0x85: {  	v1 =	vld [tilespmem:s19+$0x40];
	_ =	sdelay $0x4  }
0x86: {  	vm0 =	veq.s32 v1, $0x0;
	vm1 =	veq.s32 v1, $0x1;
	vm2 =	veq.s32 v1, $0x2  }
0x87: {  	v2 =	vsel vm0, $0x3F800000, v0;
	v3 =	vsel vm1, $0x3F800000, v0;
	vm0 =	veq.s32 v1, $0x3  }
0x88: {  	v1 =	vsel vm2, $0x3F800000, v0;
	[tilespmem:s22+$0xFFFFFF40] =	vst v2;
	v2 =	vsel vm0, $0x3F800000, v0  }
0x89: {  	[tilespmem:s22+$0xC0] =	vst v2  }
0x8a: {  	[tilespmem:s22+$0xFFFFFFC0] =	vst v3  }
0x8b: {  	[tilespmem:s22+$0x40] =	vst v1  }
0x8c: {  	v1 =	vld [tilespmem:s19+$0x50];
	_ =	sdelay $0x2  }
.Ltmp6:
0x8d: {  	(pc) =	sbr.rel @p0 .LBB2_10-.Ltmp6, $4  }
0x8e: {  	_ = 	snop  }
0x8f: {  	vm0 =	veq.s32 v1, $0x0;
	vm1 =	veq.s32 v1, $0x1;
	vm2 =	veq.s32 v1, $0x2  }
0x90: {  	v2 =	vsel vm0, $0x3F800000, v0;
	v3 =	vsel vm1, $0x3F800000, v0;
	vm0 =	veq.s32 v1, $0x3  }
0x91: {  	[tilespmem:s22+$0xFFFFFF50] =	vst v2;
	v2 =	vsel vm2, $0x3F800000, v0;
	v1 =	vsel vm0, $0x3F800000, v0  }
0x92: {  	[tilespmem:s20+$0xFFFFFFD0] =	vst v3  }
0x93: {  	[tilespmem:s20+$0x50] =	vst v2  }
0x94: {  	[tilespmem:s20+$0xD0] =	vst v1  }
0x95: {  	v1 =	vld [tilespmem:s19+$0x60];
	_ =	sdelay $0x4  }
0x96: {  	vm0 =	veq.s32 v1, $0x3  }
0x97: {  	vm1 =	veq.s32 v1, $0x1;
	v2 =	vsel vm0, $0x3F800000, v0  }
0x98: {  	vm10 =	veq.s32 v1, $0x2;
	v3 =	vsel vm1, $0x3F800000, v0;
	[tilespmem:s20+$0xE0] =	vst v2  }
0x99: {  	vm11 =	veq.s32 v1, $0x0;
	v1 =	vsel vm10, $0x3F800000, v0;
	[tilespmem:s20+$0xFFFFFFE0] =	vst v3  }
0x9a: {  	v2 =	vsel vm11, $0x3F800000, v0;
	[tilespmem:s20+$0x60] =	vst v1  }
0x9b: {  	[tilespmem:s20+$0xFFFFFF60] =	vst v2  }
0x9c: {  	v1 =	vld [tilespmem:s19+$0x70];
	_ =	sdelay $0x4  }
0x9d: {  	vm12 =	veq.s32 v1, $0x0  }
0x9e: {  	p0 =	seq.s32 s17, $0xF;
	vm13 =	veq.s32 v1, $0x1;
	v2 =	vsel vm12, $0x3F800000, v0  }
.Ltmp7:
0x9f: {  	vm14 =	veq.s32 v1, $0x2;
	v3 =	vsel vm13, $0x3F800000, v0;
	[tilespmem:s20+$0xFFFFFF70] =	vst v2;
	(pc) =	sbr.rel @p0 .LBB2_15-.Ltmp7, $4  }
0xa0: {  	vm15 =	veq.s32 v1, $0x3;
	v1 =	vsel vm14, $0x3F800000, v0;
	[tilespmem:s20+$0xFFFFFFF0] =	vst v3  }
0xa1: {  	s19 =	sshll.u32 s18, $0xB;
	v2 =	vsel vm15, $0x3F800000, v0;
	[tilespmem:s20+$0x70] =	vst v1  }
0xa2: {  	s31 =	sadd.s32 s3, s19;
	[tilespmem:s20+$0xF0] =	vst v2  }
0xa3: {  	[hbm4b:s31+s5] =	stream.linear.scatter [tilespmem:s11], [sflag:$0x3], $0x4000, $0x38;
	[tilespmem:$0xA000] =	vst v63  }
0xa4: {  	s20 =	sadd.s32 $0x2, s18  }
0xa5: {  	s21 =	sshll.u32 s20, $0x4  }
0xa6: {  	s20 =	sshll.u32 s20, $0x9;
	s21 =	sand.u32 $0x60, s21  }
0xa7: {  	s20 =	sand.u32 $0xFFFF000, s20;
	s21 =	sadd.s32 s2, s21  }
0xa8: {  	s22 =	simm.s32 $0x80;
	s20 =	sadd.s32 s20, s21  }
0xa9: {  	s23 =	simm.s32 $0x100;
	s21 =	simm.s32 $0x0;
	s24 =	sadd.s32 $0x0, s20  }
.LBB2_13:
0xaa: {  	[tilespmem:s21], [sflag:$0x1] =	stream.linear.gather [hbm4b:s24+s5], $0x80, $0x38;
	[tilespmem:$0xA000] =	vst v63  }
0xab: {  	s24 =	smov.u32 s22;
	s21 =	smov.u32 s23;
	p1 =	sne.s32 s22, $0xF80  }
.Ltmp8:
0xac: {  	s22 =	sadd.s32 $0x80, s22;
	(pc) =	sbr.rel @p1 .LBB2_13-.Ltmp8, $2  }
0xad: {  	_ =	sdelay $0x2  }
0xae: {  	s23 =	sadd.s32 $0x100, s23;
	s24 =	sadd.s32 s24, s20  }
0xaf: {  	[tilespmem:s21], [sflag:$0x1] =	stream.linear.gather [hbm4b:s24+s5], $0x80, $0x38;
	[tilespmem:$0xA000] =	vst v63  }
.LBB2_15:
0xb0: {  	_ =	swait.ge [sflag:s12], $0x1000  }
0xb1: {  	[sflag:s12] =	ssyncset.done $0x0  }
0xb2: {  	s21 =	simm.s32 $0xF0;
	[sflag:s12] =	ssyncadd.s32 $0xFFFFF000  }
0xb3: {  	v1 =	vld [tilespmem:s21+$0xFFFFFF90];
	_ =	sdelay $0x4  }
0xb4: {  	vm0 =	veq.s32 v1, $0x0  }
0xb5: {  	s20 =	simm.s32 $0x0;
	vm1 =	veq.s32 v1, $0x1;
	v2 =	vsel vm0, $0x3F800000, v0  }
0xb6: {  	vm7 =	veq.s32 v1, $0x2;
	v3 =	vsel vm1, $0x3F800000, v0;
	[tilespmem:s20+$0x6000] =	vst v2  }
0xb7: {  	vm8 =	veq.s32 v1, $0x3;
	v1 =	vsel vm7, $0x3F800000, v0;
	[tilespmem:s20+$0x6080] =	vst v3  }
0xb8: {  	v2 =	vsel vm8, $0x3F800000, v0;
	[tilespmem:s20+$0x6100] =	vst v1  }
0xb9: {  	[tilespmem:s20+$0x6180] =	vst v2  }
0xba: {  	v1 =	vld [tilespmem:s21+$0xFFFFFFA0];
	_ =	sdelay $0x4  }
0xbb: {  	vm9 =	veq.s32 v1, $0x0  }
0xbc: {  	vm10 =	veq.s32 v1, $0x1;
	v2 =	vsel vm9, $0x3F800000, v0  }
0xbd: {  	vm11 =	veq.s32 v1, $0x2;
	v3 =	vsel vm10, $0x3F800000, v0;
	[tilespmem:s20+$0x6010] =	vst v2  }
0xbe: {  	vm12 =	veq.s32 v1, $0x3;
	v1 =	vsel vm11, $0x3F800000, v0;
	[tilespmem:s20+$0x6090] =	vst v3  }
0xbf: {  	v2 =	vsel vm12, $0x3F800000, v0;
	[tilespmem:s20+$0x6110] =	vst v1  }
0xc0: {  	[tilespmem:s20+$0x6190] =	vst v2  }
0xc1: {  	v1 =	vld [tilespmem:s21+$0xFFFFFFB0];
	_ =	sdelay $0x4  }
0xc2: {  	vm13 =	veq.s32 v1, $0x0  }
0xc3: {  	vm15 =	veq.s32 v1, $0x1;
	v2 =	vsel vm13, $0x3F800000, v0  }
0xc4: {  	vm4 =	veq.s32 v1, $0x3;
	v3 =	vsel vm15, $0x3F800000, v0;
	[tilespmem:s20+$0x6020] =	vst v2  }
0xc5: {  	vm14 =	veq.s32 v1, $0x2;
	v1 =	vsel vm4, $0x3F800000, v0;
	[tilespmem:s20+$0x60A0] =	vst v3  }
0xc6: {  	v2 =	vsel vm14, $0x3F800000, v0;
	[tilespmem:s20+$0x61A0] =	vst v1  }
0xc7: {  	[tilespmem:s20+$0x6120] =	vst v2  }
0xc8: {  	v1 =	vld [tilespmem:s21+$0xFFFFFFC0];
	_ =	sdelay $0x4  }
0xc9: {  	vm5 =	veq.s32 v1, $0x0  }
0xca: {  	vm6 =	veq.s32 v1, $0x2;
	v2 =	vsel vm5, $0x3F800000, v0  }
0xcb: {  	vm7 =	veq.s32 v1, $0x3;
	v3 =	vsel vm6, $0x3F800000, v0;
	[tilespmem:s20+$0x6030] =	vst v2  }
0xcc: {  	vm8 =	veq.s32 v1, $0x1;
	v1 =	vsel vm7, $0x3F800000, v0;
	[tilespmem:s20+$0x6130] =	vst v3  }
0xcd: {  	v2 =	vsel vm8, $0x3F800000, v0;
	[tilespmem:s20+$0x61B0] =	vst v1  }
0xce: {  	[tilespmem:s20+$0x60B0] =	vst v2  }
0xcf: {  	v1 =	vld [tilespmem:s21+$0xFFFFFFD0];
	_ =	sdelay $0x4  }
0xd0: {  	vm9 =	veq.s32 v1, $0x0  }
0xd1: {  	vm11 =	veq.s32 v1, $0x1;
	v2 =	vsel vm9, $0x3F800000, v0  }
0xd2: {  	vm10 =	veq.s32 v1, $0x3;
	vm12 =	veq.s32 v1, $0x2;
	v1 =	vsel vm11, $0x3F800000, v0;
	[tilespmem:s20+$0x6040] =	vst v2  }
0xd3: {  	v2 =	vsel vm10, $0x3F800000, v0;
	[tilespmem:s20+$0x60C0] =	vst v1  }
0xd4: {  	[tilespmem:s20+$0x61C0] =	vst v2;
	v2 =	vsel vm12, $0x3F800000, v0  }
0xd5: {  	[tilespmem:s20+$0x6140] =	vst v2  }
0xd6: {  	v1 =	vld [tilespmem:s21+$0xFFFFFFE0];
	_ =	sdelay $0x4  }
0xd7: {  	vm13 =	veq.s32 v1, $0x0;
	vm14 =	veq.s32 v1, $0x1  }
0xd8: {  	vm2 =	veq.s32 v1, $0x2;
	vm15 =	veq.s32 v1, $0x3;
	v2 =	vsel vm13, $0x3F800000, v0  }
0xd9: {  	s17 =	sadd.s32 $0x1, s17;
	s23 =	simm.s32 $0x800;
	s22 =	simm.s32 $0xF0;
	v3 =	vsel vm14, $0x3F800000, v0;
	v1 =	vsel vm15, $0x3F800000, v0;
	[tilespmem:s20+$0x6050] =	vst v2;
	v2 =	vsel vm2, $0x3F800000, v0  }
.LBB2_16:
0xda: {  	p1 =	sne.s32 s23, $0xF800  }
0xdb: {  	[tilespmem:s20+$0x60D0] =	vst v3;
	s21 =	sadd.s32 $0x100, s21;
	s24 =	smov.u32 s23;
	s23 =	sadd.s32 $0x800, s23  }
0xdc: {  	_ =	sdelay $0x2  }
0xdd: {  	[tilespmem:s20+$0x6150] =	vst v2  }
0xde: {  	[tilespmem:s20+$0x61D0] =	vst v1  }
0xdf: {  	v1 =	vld [tilespmem:s22+$0xFFFFFFF0];
	_ =	sdelay $0x4  }
0xe0: {  	vm0 =	veq.s32 v1, $0x0;
	vm1 =	veq.s32 v1, $0x1;
	vm2 =	veq.s32 v1, $0x3  }
0xe1: {  	v2 =	vsel vm0, $0x3F800000, v0;
	vm0 =	veq.s32 v1, $0x2;
	v1 =	vsel vm2, $0x3F800000, v0  }
0xe2: {  	[tilespmem:s20+$0x6060] =	vst v2;
	v2 =	vsel vm1, $0x3F800000, v0;
	v3 =	vsel vm0, $0x3F800000, v0  }
0xe3: {  	[tilespmem:s20+$0x61E0] =	vst v1  }
0xe4: {  	[tilespmem:s20+$0x60E0] =	vst v2  }
0xe5: {  	[tilespmem:s20+$0x6160] =	vst v3  }
0xe6: {  	v1 =	vld [tilespmem:s22+$0x0];
	s22 =	smov.u32 s21;
	_ =	sdelay $0x4  }
0xe7: {  	vm0 =	veq.s32 v1, $0x0;
	vm1 =	veq.s32 v1, $0x1;
	vm2 =	veq.s32 v1, $0x2  }
0xe8: {  	v2 =	vsel vm0, $0x3F800000, v0;
	v3 =	vsel vm1, $0x3F800000, v0;
	vm0 =	veq.s32 v1, $0x3  }
0xe9: {  	v1 =	vsel vm2, $0x3F800000, v0;
	[tilespmem:s20+$0x6070] =	vst v2;
	v2 =	vsel vm0, $0x3F800000, v0  }
0xea: {  	[tilespmem:s20+$0x6170] =	vst v1  }
0xeb: {  	[tilespmem:s20+$0x60F0] =	vst v3  }
0xec: {  	[tilespmem:s20+$0x61F0] =	vst v2  }
0xed: {  	v1 =	vld [tilespmem:s21+$0xFFFFFF90];
	_ =	sdelay $0x4  }
0xee: {  	vm0 =	veq.s32 v1, $0x0;
	vm1 =	veq.s32 v1, $0x1;
	vm2 =	veq.s32 v1, $0x2  }
0xef: {  	s20 =	sshra.s32 s24, $0x2;
	v2 =	vsel vm0, $0x3F800000, v0;
	v3 =	vsel vm1, $0x3F800000, v0;
	vm0 =	veq.s32 v1, $0x3  }
0xf0: {  	v1 =	vsel vm2, $0x3F800000, v0;
	[tilespmem:s20+$0x6000] =	vst v2;
	v2 =	vsel vm0, $0x3F800000, v0  }
0xf1: {  	[tilespmem:s20+$0x6080] =	vst v3  }
0xf2: {  	[tilespmem:s20+$0x6100] =	vst v1  }
0xf3: {  	[tilespmem:s20+$0x6180] =	vst v2  }
0xf4: {  	v1 =	vld [tilespmem:s21+$0xFFFFFFA0];
	_ =	sdelay $0x4  }
0xf5: {  	vm0 =	veq.s32 v1, $0x0;
	vm1 =	veq.s32 v1, $0x1;
	vm2 =	veq.s32 v1, $0x2  }
0xf6: {  	v2 =	vsel vm0, $0x3F800000, v0;
	v3 =	vsel vm1, $0x3F800000, v0;
	vm0 =	veq.s32 v1, $0x3  }
0xf7: {  	v1 =	vsel vm2, $0x3F800000, v0;
	[tilespmem:s20+$0x6010] =	vst v2;
	v2 =	vsel vm0, $0x3F800000, v0  }
0xf8: {  	[tilespmem:s20+$0x6090] =	vst v3  }
0xf9: {  	[tilespmem:s20+$0x6110] =	vst v1  }
0xfa: {  	[tilespmem:s20+$0x6190] =	vst v2  }
0xfb: {  	v1 =	vld [tilespmem:s21+$0xFFFFFFB0];
	_ =	sdelay $0x4  }
0xfc: {  	vm0 =	veq.s32 v1, $0x0;
	vm1 =	veq.s32 v1, $0x1;
	vm2 =	veq.s32 v1, $0x2  }
0xfd: {  	v2 =	vsel vm0, $0x3F800000, v0;
	v3 =	vsel vm1, $0x3F800000, v0;
	vm0 =	veq.s32 v1, $0x3  }
0xfe: {  	v1 =	vsel vm2, $0x3F800000, v0;
	[tilespmem:s20+$0x6020] =	vst v2;
	v2 =	vsel vm0, $0x3F800000, v0  }
0xff: {  	[tilespmem:s20+$0x6120] =	vst v1  }
0x100: {  	[tilespmem:s20+$0x60A0] =	vst v3  }
0x101: {  	[tilespmem:s20+$0x61A0] =	vst v2  }
0x102: {  	v1 =	vld [tilespmem:s21+$0xFFFFFFC0];
	_ =	sdelay $0x4  }
0x103: {  	vm0 =	veq.s32 v1, $0x0;
	vm1 =	veq.s32 v1, $0x1;
	vm2 =	veq.s32 v1, $0x2  }
0x104: {  	v2 =	vsel vm0, $0x3F800000, v0;
	v3 =	vsel vm2, $0x3F800000, v0;
	vm0 =	veq.s32 v1, $0x3  }
0x105: {  	v1 =	vsel vm1, $0x3F800000, v0;
	[tilespmem:s20+$0x6030] =	vst v2;
	v2 =	vsel vm0, $0x3F800000, v0  }
0x106: {  	[tilespmem:s20+$0x6130] =	vst v3  }
0x107: {  	[tilespmem:s20+$0x61B0] =	vst v2  }
0x108: {  	[tilespmem:s20+$0x60B0] =	vst v1  }
0x109: {  	v1 =	vld [tilespmem:s21+$0xFFFFFFD0];
	_ =	sdelay $0x4  }
0x10a: {  	vm0 =	veq.s32 v1, $0x0;
	vm1 =	veq.s32 v1, $0x1;
	vm2 =	veq.s32 v1, $0x2  }
0x10b: {  	v2 =	vsel vm0, $0x3F800000, v0;
	v3 =	vsel vm1, $0x3F800000, v0;
	vm0 =	veq.s32 v1, $0x3  }
0x10c: {  	v1 =	vsel vm2, $0x3F800000, v0;
	[tilespmem:s20+$0x6040] =	vst v2;
	v2 =	vsel vm0, $0x3F800000, v0  }
0x10d: {  	[tilespmem:s20+$0x61C0] =	vst v2  }
0x10e: {  	[tilespmem:s20+$0x60C0] =	vst v3  }
0x10f: {  	[tilespmem:s20+$0x6140] =	vst v1  }
0x110: {  	v1 =	vld [tilespmem:s21+$0xFFFFFFE0];
	_ =	sdelay $0x2  }
.Ltmp9:
0x111: {  	(pc) =	sbr.rel @p1 .LBB2_16-.Ltmp9, $4  }
0x112: {  	_ = 	snop  }
0x113: {  	vm0 =	veq.s32 v1, $0x0;
	vm1 =	veq.s32 v1, $0x1;
	vm2 =	veq.s32 v1, $0x2  }
0x114: {  	v2 =	vsel vm0, $0x3F800000, v0;
	v3 =	vsel vm1, $0x3F800000, v0;
	vm0 =	veq.s32 v1, $0x3  }
0x115: {  	[tilespmem:s20+$0x6050] =	vst v2;
	v2 =	vsel vm2, $0x3F800000, v0;
	v1 =	vsel vm0, $0x3F800000, v0  }
0x116: {  	[tilespmem:s20+$0x60D0] =	vst v3  }
0x117: {  	[tilespmem:s20+$0x6150] =	vst v2  }
0x118: {  	[tilespmem:s20+$0x61D0] =	vst v1  }
0x119: {  	v1 =	vld [tilespmem:s22+$0xFFFFFFF0];
	_ =	sdelay $0x4  }
0x11a: {  	vm0 =	veq.s32 v1, $0x0  }
0x11b: {  	vm1 =	veq.s32 v1, $0x3;
	v2 =	vsel vm0, $0x3F800000, v0  }
0x11c: {  	vm10 =	veq.s32 v1, $0x1;
	v3 =	vsel vm1, $0x3F800000, v0;
	[tilespmem:s20+$0x6060] =	vst v2  }
0x11d: {  	vm11 =	veq.s32 v1, $0x2;
	v1 =	vsel vm10, $0x3F800000, v0;
	[tilespmem:s20+$0x61E0] =	vst v3  }
0x11e: {  	v2 =	vsel vm11, $0x3F800000, v0;
	[tilespmem:s20+$0x60E0] =	vst v1  }
0x11f: {  	[tilespmem:s20+$0x6160] =	vst v2  }
0x120: {  	v1 =	vld [tilespmem:s22+$0x0];
	_ =	sdelay $0x4  }
0x121: {  	vm12 =	veq.s32 v1, $0x0  }
0x122: {  	vm14 =	veq.s32 v1, $0x1;
	v2 =	vsel vm12, $0x3F800000, v0  }
.Ltmp10:
0x123: {  	vm15 =	veq.s32 v1, $0x3;
	v3 =	vsel vm14, $0x3F800000, v0;
	[tilespmem:s20+$0x6070] =	vst v2;
	(pc) =	sbr.rel @p0 .LBB2_21-.Ltmp10, $4  }
0x124: {  	vm13 =	veq.s32 v1, $0x2;
	v1 =	vsel vm15, $0x3F800000, v0;
	[tilespmem:s20+$0x60F0] =	vst v3  }
0x125: {  	v2 =	vsel vm13, $0x3F800000, v0;
	[tilespmem:s20+$0x61F0] =	vst v1  }
0x126: {  	s19 =	sadd.s32 s19, s8;
	[tilespmem:s20+$0x6170] =	vst v2  }
0x127: {  	[hbm4b:s19+s5] =	stream.linear.scatter [tilespmem:s13], [sflag:$0x4], $0x4000, $0x38;
	[tilespmem:$0xA000] =	vst v63  }
0x128: {  	s18 =	sadd.s32 $0x3, s18  }
0x129: {  	s19 =	sshll.u32 s18, $0x4  }
0x12a: {  	s18 =	sshll.u32 s18, $0x9;
	s19 =	sand.u32 $0x70, s19  }
0x12b: {  	s18 =	sand.u32 $0xFFFF000, s18;
	s19 =	sadd.s32 s2, s19  }
0x12c: {  	s20 =	simm.s32 $0x80;
	s18 =	sadd.s32 s18, s19  }
0x12d: {  	s21 =	simm.s32 $0x180;
	s19 =	simm.s32 $0x80;
	s22 =	sadd.s32 $0x0, s18  }
.LBB2_19:
0x12e: {  	[tilespmem:s19], [sflag:$0x2] =	stream.linear.gather [hbm4b:s22+s5], $0x80, $0x38;
	[tilespmem:$0xA000] =	vst v63  }
0x12f: {  	s22 =	smov.u32 s20;
	s19 =	smov.u32 s21;
	p0 =	sne.s32 s20, $0xF80  }
.Ltmp11:
0x130: {  	s20 =	sadd.s32 $0x80, s20;
	(pc) =	sbr.rel @p0 .LBB2_19-.Ltmp11, $2  }
0x131: {  	_ =	sdelay $0x2  }
0x132: {  	s21 =	sadd.s32 $0x100, s21;
	s22 =	sadd.s32 s22, s18  }
0x133: {  	p0 =	sne.s32 s17, $0x10  }
.Ltmp12:
0x134: {  	_ = 	snop;
	(pc) =	sbr.rel @p0 .LBB2_2-.Ltmp12, $4  }
.Ltmp13:
0x135: {  	_ = 	snop;
	(pc) =	sbr.rel @!p0 .LBB2_21-.Ltmp13, $4  }
0x136: {  	_ = 	snop  }
0x137: {  	_ = 	snop  }
0x138: {  	[tilespmem:s19], [sflag:$0x2] =	stream.linear.gather [hbm4b:s22+s5], $0x80, $0x38;
	[tilespmem:$0xA000] =	vst v63  }
0x139: {  	_ = 	snop  }
.LBB2_22:
0x13a: {  	_ =	sfence.sel $0x180000  }
0x13b: {  	[bflag:$0x0] =	sbarrier.arrive $0xFFFF  }
0x13c: {  	p0 =	sne.s32 s0, $0x0;
	_ =	strace $0x90000047  }
0x13d: {  	s0 =	sadd.s32 @!p0 $0x100000, s1;
	[bflag:$0x2] =	sbarrier.arrive $0xFFFF  }
0x13e: {  	[sflag:s0] =	ssyncadd.tile.s32 @!p0 $0x1;
	_ =	shalt  }
.Lfunc_end2:
_tile_overlayer_lowered:
.L_overlay_start_2:
0x13f: {  	(tag) =	ssettag $0x2  }
0x140: {  	s0 =	rddreg [dreg:$0x0];
	s2 =	stileid.u32  }
0x141: {  	s1 =	rddreg [dreg:$0x1];
	p0 =	sne.s32 s2, $0x0  }
0x142: {  	s3 =	rddreg [dreg:$0x2];
	[bflag:$0x3] =	sbarrier.arrive $0xFFFF;
	s2 =	simm.s32 @!p0 $0x1C05  }
0x143: {  	[timem:s3], [sflag:s2] =	dma.local @!p0 [hbm:s0], s1  }
0x144: {  	s0 =	simm.s32 @!p0 $0x5  }
0x145: {  	_ =	swait.ge @!p0 [sflag:s0], s1  }
0x146: {  	s1 =	ssub.s32 @!p0 $0x0, s1;
	[sflag:s0] =	ssyncset.done @!p0 $0x0  }
0x147: {  	[sflag:s0] =	ssyncadd.s32 @!p0 s1  }
0x148: {  	[bflag:$0x3] =	sbarrier.arrive $0xFFFF  }
0x149: {  	_ =	shalt  }

</sc_bundles>
